<compile_context>
chip_gen: v7x
topology: tpu7x:2x2x1
jax: 0.10.2.dev20260603
libtpu: 0.0.44.dev20260713+nightly
codegen_flags: <defaults>
</compile_context>

<pallas_src>
import functools

import jax
import jax.numpy as jnp
from jax import lax
from jax.experimental import pallas as pl
from jax.experimental.pallas import tpu as pltpu
from jax.experimental.pallas import tpu_sc as plsc

N = 10000
E = 320000
IN_CH = 128
HID = 64
NC = 2
NS = 16
NW = NC * NS
EPW = E // NW
K = 125
NCH = EPW // K
NBUF = 4
N_PAD = 10240
RPW = N_PAD // NS
ZR = 128
RB = 2000

@functools.cache
def _deg_kernel_fn():
    mesh = plsc.VectorSubcoreMesh(
        core_axis_name="c", subcore_axis_name="s", num_cores=NC)
    return pl.kernel(
        _deg_body,
        out_type=jax.ShapeDtypeStruct((NC, N_PAD, 16), jnp.float32),
        mesh=mesh,
        scratch_types=[
            pltpu.VMEM((NCH, K), jnp.int32),
            pltpu.VMEM((K, 16), jnp.float32),
            pltpu.VMEM((ZR, 16), jnp.float32),
            pltpu.VMEM_SHARED((N_PAD, 16), jnp.float32),
            pltpu.SemaphoreType.DMA,
        ],
        compiler_params=pltpu.CompilerParams(use_tc_tiling_on_sc=False),
    )


def _deg_body(ed_hbm, deg_out, dst_v, ones_v, zrow_v, deg_sh, dsem):
    cid = lax.axis_index("c")
    sid = lax.axis_index("s")
    wid = cid * NS + sid
    pltpu.sync_copy(ed_hbm.at[NW + wid], dst_v)

    def fill(r, _):
        ones_v[r, :] = jnp.ones((16,), jnp.float32)
        return 0

    lax.fori_loop(0, K, fill, 0)

    def fillz(r, _):
        zrow_v[r, :] = jnp.zeros((16,), jnp.float32)
        return 0

    lax.fori_loop(0, ZR, fillz, 0)

    base = sid * RPW

    def zcopy(j, _):
        pltpu.sync_copy(zrow_v, deg_sh.at[pl.ds(base + j * ZR, ZR)])
        return 0

    lax.fori_loop(0, RPW // ZR, zcopy, 0)
    plsc.subcore_barrier()

    def scat_group(i, _):
        for j in range(5):
            pltpu.async_copy(ones_v, deg_sh.at[dst_v.at[i * 5 + j]], dsem,
                             add=True)
        for j in range(5):
            pltpu.make_async_copy(ones_v, deg_sh.at[dst_v.at[i * 5 + j]],
                                  dsem).wait()
        return 0

    lax.fori_loop(0, NCH // 5, scat_group, 0)
    plsc.subcore_barrier()
    pltpu.sync_copy(deg_sh.at[pl.ds(base, RPW)], deg_out.at[cid, pl.ds(base, RPW)])


@functools.cache
def _scatter_kernel_fn():
    mesh = plsc.VectorSubcoreMesh(
        core_axis_name="c", subcore_axis_name="s", num_cores=NC)
    return pl.kernel(
        _scatter_body,
        out_type=jax.ShapeDtypeStruct((NC, N_PAD, HID), jnp.bfloat16),
        mesh=mesh,
        scratch_types=[
            pltpu.VMEM((2 * NCH, K), jnp.int32),
        ] + [pltpu.VMEM((K, HID), jnp.bfloat16) for _ in range(NBUF)]
        + [
            pltpu.VMEM_SHARED((N_PAD, HID), jnp.bfloat16),
        ] + [pltpu.SemaphoreType.DMA for _ in range(2 * NBUF)],
        compiler_params=pltpu.CompilerParams(use_tc_tiling_on_sc=False),
    )


def _scatter_body(g_hbm, ed_hbm, acc_out, ed_v, *rest):
    rows = rest[:NBUF]
    acc_sh = rest[NBUF]
    gsem = rest[NBUF + 1:NBUF + 1 + NBUF]
    ssem = rest[NBUF + 1 + NBUF:]
    cid = lax.axis_index("c")
    sid = lax.axis_index("s")
    wid = cid * NS + sid
    pltpu.sync_copy(ed_hbm.at[wid], ed_v.at[pl.ds(0, NCH)])
    pltpu.sync_copy(ed_hbm.at[NW + wid], ed_v.at[pl.ds(NCH, NCH)])

    def fillz(r, _):
        for j in range(NBUF):
            for l in range(HID // 32):
                rows[j][r, pl.ds(l * 32, 32)] = jnp.zeros((32,), jnp.bfloat16)
        return 0

    lax.fori_loop(0, K, fillz, 0)

    base = sid * RPW
    for j in range(RPW // K):
        pltpu.sync_copy(rows[j % NBUF], acc_sh.at[pl.ds(base + j * K, K)])
    pltpu.sync_copy(rows[1].at[pl.ds(0, RPW - (RPW // K) * K)],
                    acc_sh.at[pl.ds(base + (RPW // K) * K,
                                    RPW - (RPW // K) * K)])
    plsc.subcore_barrier()

    for j in range(2):
        pltpu.async_copy(g_hbm.at[ed_v.at[j]], rows[j], gsem[j])

    def group(i, _):
        for j in range(NBUF):
            c = i * NBUF + j
            jp = (j + 2) % NBUF
            pltpu.make_async_copy(g_hbm.at[ed_v.at[c]], rows[j],
                                  gsem[j]).wait()
            pltpu.async_copy(rows[j], acc_sh.at[ed_v.at[NCH + c]], ssem[j],
                             add=True)

            @pl.when(c >= 2)
            def _():
                pltpu.make_async_copy(rows[jp], acc_sh.at[ed_v.at[NCH + c - 2]],
                                      ssem[jp]).wait()

            @pl.when(c + 2 < NCH)
            def _():
                pltpu.async_copy(g_hbm.at[ed_v.at[c + 2]], rows[jp], gsem[jp])
        return 0

    lax.fori_loop(0, NCH // NBUF, group, 0)
    pltpu.make_async_copy(rows[NBUF - 2], acc_sh.at[ed_v.at[2 * NCH - 2]],
                          ssem[NBUF - 2]).wait()
    pltpu.make_async_copy(rows[NBUF - 1], acc_sh.at[ed_v.at[2 * NCH - 1]],
                          ssem[NBUF - 1]).wait()
    plsc.subcore_barrier()
    pltpu.sync_copy(acc_sh.at[pl.ds(base, RPW)], acc_out.at[cid, pl.ds(base, RPW)])


def _lin_body(x_ref, w_ref, degp_ref, g_ref):
    deg = degp_ref[0, :, 0] + degp_ref[1, :, 0] + 1.0
    dinv = lax.rsqrt(deg)
    h = jnp.dot(x_ref[...], w_ref[...], preferred_element_type=jnp.float32)
    g_ref[...] = (h * dinv[:, None]).astype(jnp.bfloat16)


def _lin(x, W, degp):
    return pl.pallas_call(
        _lin_body,
        grid=(N // RB,),
        in_specs=[
            pl.BlockSpec((RB, IN_CH), lambda i: (i, 0)),
            pl.BlockSpec((IN_CH, HID), lambda i: (0, 0)),
            pl.BlockSpec((NC, RB, 16), lambda i: (0, i, 0)),
        ],
        out_specs=pl.BlockSpec((RB, HID), lambda i: (i, 0)),
        out_shape=jax.ShapeDtypeStruct((N, HID), jnp.bfloat16),
    )(x, W, degp)


def _tail_body(acc_ref, g_ref, degp_ref, b_ref, out_ref):
    deg = degp_ref[0, :, 0] + degp_ref[1, :, 0] + 1.0
    dinv = lax.rsqrt(deg)
    acc = acc_ref[0].astype(jnp.float32) + acc_ref[1].astype(jnp.float32)
    s = (acc + g_ref[...].astype(jnp.float32)) * dinv[:, None] + b_ref[0]
    s = jnp.maximum(s, 0.0)
    m = jnp.max(s, axis=1, keepdims=True)
    lse = jnp.log(jnp.sum(jnp.exp(s - m), axis=1, keepdims=True)) + m
    out_ref[...] = s - lse


def _tail(acc, g, degp, b2):
    return pl.pallas_call(
        _tail_body,
        grid=(N // RB,),
        in_specs=[
            pl.BlockSpec((NC, RB, HID), lambda i: (0, i, 0)),
            pl.BlockSpec((RB, HID), lambda i: (i, 0)),
            pl.BlockSpec((NC, RB, 16), lambda i: (0, i, 0)),
            pl.BlockSpec((1, HID), lambda i: (0, 0)),
        ],
        out_specs=pl.BlockSpec((RB, HID), lambda i: (i, 0)),
        out_shape=jax.ShapeDtypeStruct((N, HID), jnp.float32),
    )(acc, g, degp, b2)


@jax.jit
def kernel(x, edge_index, W, b):
    ed = edge_index.astype(jnp.int32).reshape(2 * NW, NCH, K)
    degp = _deg_kernel_fn()(ed)
    g = _lin(x, W, degp)
    acc = _scatter_kernel_fn()(g, ed)
    return _tail(acc, g, degp, b.reshape(1, HID))

# --- scband reference (transcript-rebuilt; emitter-appended) ---
"""Pipeline reference for scband-gnn-31610959299128 (READ-ONLY COPY).

The authoritative reference and input builder live on the scoring server;
editing this copy changes nothing except your own understanding.
"""

import jax, jax.numpy as jnp
import numpy as np

N_NODES = 10000
IN_CH = 128
HID = 64
N_EDGES = 320000


def setup_inputs(seed: int = 0) -> dict:
    key = jax.random.key(seed)
    k1, k2, k3, k4 = jax.random.split(key, 4)
    x = jax.random.normal(k1, (N_NODES, IN_CH), dtype=jnp.float32)
    edge_index = jax.random.randint(k2, (2, N_EDGES), 0, N_NODES, dtype=jnp.int64)
    # GCNConv learned parameters (glorot-style init)
    W = jax.random.normal(k3, (IN_CH, HID), dtype=jnp.float32) * (1.0 / np.sqrt(IN_CH))
    b = jnp.zeros((HID,), dtype=jnp.float32)
    return {"x": x, "edge_index": edge_index, "W": W, "b": b}


def reference(x, edge_index, W, b):
    N = x.shape[0]
    # GCNConv: linear transform first (PyG applies lin before propagate)
    h = x @ W
    src = edge_index[0]
    dst = edge_index[1]
    # add self loops
    loop = jnp.arange(N, dtype=edge_index.dtype)
    src = jnp.concatenate([src, loop], axis=0)
    dst = jnp.concatenate([dst, loop], axis=0)
    # symmetric normalization D^{-1/2} A_hat D^{-1/2}
    deg = jnp.zeros((N,), dtype=h.dtype).at[dst].add(1.0)
    dinv = jnp.where(deg > 0, 1.0 / jnp.sqrt(deg), 0.0)
    norm = dinv[src] * dinv[dst]
    # gather messages from source nodes, scale, scatter-add to destinations
    msg = h[src] * norm[:, None]
    out = jnp.zeros((N, h.shape[1]), dtype=h.dtype).at[dst].add(msg)
    out = out + b
    # GNN.forward: relu then log_softmax over feature dim
    out = jax.nn.relu(out)
    return jax.nn.log_softmax(out, axis=1)

if __name__ == "__main__":
    import jax
    _d = setup_inputs()
    print(jax.jit(kernel)(*tuple(_d.values())))

</pallas_src>

<mosaic_0001>
#map = affine_map<(d0, d1) -> (0, 0, 0)>
module attributes {stable_mosaic.version = 14 : i64} {
  func.func @_deg_body(%arg0: i32, %arg1: i32, %arg2: memref<64x80x125xi32, #tpu.memory_space<hbm>>, %arg3: memref<2x10240x16xf32, #tpu.memory_space<hbm>>, %arg4: memref<80x125xi32, #tpu.memory_space<vmem>>, %arg5: memref<125x16xf32, #tpu.memory_space<vmem>>, %arg6: memref<128x16xf32, #tpu.memory_space<vmem>>, %arg7: memref<10240x16xf32, #tpu.memory_space<vmem_shared>>, %arg8: memref<!tpu.dma_semaphore, #tpu.memory_space<semaphore_mem>>) attributes {dimension_semantics = [#tpu.dimension_semantics<core_parallel>, #tpu.dimension_semantics<subcore_parallel>], iteration_bounds = array<i64: 2, 16>, scalar_prefetch = 0 : i64, scratch_operands = 5 : i64, tpu.core_type = #tpu.core_type<sc_vector_subcore>, window_params = [{transform_indices = #map}, {transform_indices = #map}]} {
    %mul3A = arith.constant 16 : i32
    %mul3A_0 = arith.muli %arg0, %mul3A : i32
    %add3A = arith.addi %mul3A_0, %arg1 : i32
    %add3A_1 = arith.constant 32 : i32
    %add3A_2 = arith.addi %add3A_1, %add3A : i32
    "tpu.region"() ({
      %run_scoped3A = tpu.sem_alloc : memref<!tpu.dma_semaphore, #tpu.memory_space<semaphore_mem>>
      %dma_start3A = arith.constant 0 : i32
      %dma_start3A_33 = arith.constant 0 : i32
      %dma_start3A_34 = tpu.memref_slice %arg2[%add3A_2, %dma_start3A, %dma_start3A_33] : memref<64x80x125xi32, #tpu.memory_space<hbm>> -> memref<1x80x125xi32, #tpu.memory_space<hbm>>
      %dma_start3A_35 = tpu.memref_squeeze %dma_start3A_34 : memref<1x80x125xi32, #tpu.memory_space<hbm>> -> memref<80x125xi32, #tpu.memory_space<hbm>>
      %dma_start3A_36 = arith.constant 0 : i32
      %dma_start3A_37 = arith.constant 0 : i32
      %dma_start3A_38 = tpu.memref_slice %arg2[%add3A_2, %dma_start3A_36, %dma_start3A_37] : memref<64x80x125xi32, #tpu.memory_space<hbm>> -> memref<1x80x125xi32, #tpu.memory_space<hbm>>
      %dma_start3A_39 = tpu.memref_squeeze %dma_start3A_38 : memref<1x80x125xi32, #tpu.memory_space<hbm>> -> memref<80x125xi32, #tpu.memory_space<hbm>>
      tpu.enqueue_dma source(%dma_start3A_39 : memref<80x125xi32, #tpu.memory_space<hbm>>) target(%arg4 : memref<80x125xi32, #tpu.memory_space<vmem>>) target_semaphore(%run_scoped3A : memref<!tpu.dma_semaphore, #tpu.memory_space<semaphore_mem>>)
      %dma_wait3A = arith.constant 0 : i32
      %dma_wait3A_40 = arith.constant 0 : i32
      %dma_wait3A_41 = tpu.memref_slice %arg2[%add3A_2, %dma_wait3A, %dma_wait3A_40] : memref<64x80x125xi32, #tpu.memory_space<hbm>> -> memref<1x80x125xi32, #tpu.memory_space<hbm>>
      %dma_wait3A_42 = tpu.memref_squeeze %dma_wait3A_41 : memref<1x80x125xi32, #tpu.memory_space<hbm>> -> memref<80x125xi32, #tpu.memory_space<hbm>>
      %dma_wait3A_43 = arith.constant 0 : i32
      %dma_wait3A_44 = arith.constant 0 : i32
      %dma_wait3A_45 = tpu.memref_slice %arg2[%add3A_2, %dma_wait3A_43, %dma_wait3A_44] : memref<64x80x125xi32, #tpu.memory_space<hbm>> -> memref<1x80x125xi32, #tpu.memory_space<hbm>>
      %dma_wait3A_46 = tpu.memref_squeeze %dma_wait3A_45 : memref<1x80x125xi32, #tpu.memory_space<hbm>> -> memref<80x125xi32, #tpu.memory_space<hbm>>
      tpu.wait_dma2 semaphore(%run_scoped3A : memref<!tpu.dma_semaphore, #tpu.memory_space<semaphore_mem>>) src(%dma_wait3A_46 : memref<80x125xi32, #tpu.memory_space<hbm>>) dst(%arg4 : memref<80x125xi32, #tpu.memory_space<vmem>>)
      tpu.yield
    }) : () -> ()
    %scan3A = arith.constant 0 : i32
    %scan3A_3 = arith.constant 0 : i32
    %scan3A_4 = arith.constant 125 : i32
    %scan3A_5 = arith.addi %scan3A_3, %scan3A_4 : i32
    %scan3A_6 = arith.constant 1 : i32
    %scan3A_7 = scf.for %scan3A_33 = %scan3A_3 to %scan3A_5 step %scan3A_6 iter_args(%scan3A_34 = %scan3A) -> (i32)  : i32 {
      %broadcast_in_dim3A = arith.constant 1.000000e+00 : f32
      %broadcast_in_dim3A_35 = vector.broadcast %broadcast_in_dim3A : f32 to vector<16xf32>
      %swap3A = arith.index_cast %scan3A_33 : i32 to index
      %swap3A_36 = arith.constant 0 : index
      %swap3A_37 = tpu.vector_load %arg5[%swap3A, %swap3A_36] {strides = array<i32>} : memref<125x16xf32, #tpu.memory_space<vmem>>, vector<1x16xf32>,
      %swap3A_38 = vector.shape_cast %swap3A_37 : vector<1x16xf32> to vector<16xf32>
      %swap3A_39 = vector.shape_cast %broadcast_in_dim3A_35 : vector<16xf32> to vector<1x16xf32>
      tpu.vector_store %arg5[%swap3A, %swap3A_36], %swap3A_39 {strides = array<i32>} : memref<125x16xf32, #tpu.memory_space<vmem>>, vector<1x16xf32>,
      %scan3A_40 = arith.constant 0 : i32
      scf.yield %scan3A_40 : i32
    }
    %scan3A_8 = arith.constant 125 : i32
    %scan3A_9 = arith.constant 0 : i32
    %scan3A_10 = arith.constant 0 : i32
    %scan3A_11 = arith.constant 128 : i32
    %scan3A_12 = arith.addi %scan3A_10, %scan3A_11 : i32
    %scan3A_13 = arith.constant 1 : i32
    %scan3A_14 = scf.for %scan3A_33 = %scan3A_10 to %scan3A_12 step %scan3A_13 iter_args(%scan3A_34 = %scan3A_9) -> (i32)  : i32 {
      %broadcast_in_dim3A = arith.constant 0.000000e+00 : f32
      %broadcast_in_dim3A_35 = vector.broadcast %broadcast_in_dim3A : f32 to vector<16xf32>
      %swap3A = arith.index_cast %scan3A_33 : i32 to index
      %swap3A_36 = arith.constant 0 : index
      %swap3A_37 = tpu.vector_load %arg6[%swap3A, %swap3A_36] {strides = array<i32>} : memref<128x16xf32, #tpu.memory_space<vmem>>, vector<1x16xf32>,
      %swap3A_38 = vector.shape_cast %swap3A_37 : vector<1x16xf32> to vector<16xf32>
      %swap3A_39 = vector.shape_cast %broadcast_in_dim3A_35 : vector<16xf32> to vector<1x16xf32>
      tpu.vector_store %arg6[%swap3A, %swap3A_36], %swap3A_39 {strides = array<i32>} : memref<128x16xf32, #tpu.memory_space<vmem>>, vector<1x16xf32>,
      %scan3A_40 = arith.constant 0 : i32
      scf.yield %scan3A_40 : i32
    }
    %scan3A_15 = arith.constant 128 : i32
    %mul3A_16 = arith.constant 640 : i32
    %mul3A_17 = arith.muli %arg1, %mul3A_16 : i32
    %scan3A_18 = arith.constant 0 : i32
    %scan3A_19 = arith.constant 0 : i32
    %scan3A_20 = arith.constant 5 : i32
    %scan3A_21 = arith.addi %scan3A_19, %scan3A_20 : i32
    %scan3A_22 = arith.constant 1 : i32
    %scan3A_23 = scf.for %scan3A_33 = %scan3A_19 to %scan3A_21 step %scan3A_22 iter_args(%scan3A_34 = %scan3A_18) -> (i32)  : i32 {
      %mul3A_35 = arith.constant 128 : i32
      %mul3A_36 = arith.muli %scan3A_33, %mul3A_35 : i32
      %add3A_37 = arith.addi %mul3A_17, %mul3A_36 : i32
      "tpu.region"() ({
        %run_scoped3A = tpu.sem_alloc : memref<!tpu.dma_semaphore, #tpu.memory_space<semaphore_mem>>
        %dma_start3A = arith.constant 0 : i32
        %dma_start3A_39 = tpu.memref_slice %arg7[%add3A_37, %dma_start3A] : memref<10240x16xf32, #tpu.memory_space<vmem_shared>> -> memref<128x16xf32, #tpu.memory_space<vmem_shared>>
        %dma_start3A_40 = arith.constant 0 : i32
        %dma_start3A_41 = tpu.memref_slice %arg7[%add3A_37, %dma_start3A_40] : memref<10240x16xf32, #tpu.memory_space<vmem_shared>> -> memref<128x16xf32, #tpu.memory_space<vmem_shared>>
        tpu.enqueue_dma source(%arg6 : memref<128x16xf32, #tpu.memory_space<vmem>>) target(%dma_start3A_41 : memref<128x16xf32, #tpu.memory_space<vmem_shared>>) target_semaphore(%run_scoped3A : memref<!tpu.dma_semaphore, #tpu.memory_space<semaphore_mem>>)
        %dma_wait3A = arith.constant 0 : i32
        %dma_wait3A_42 = tpu.memref_slice %arg7[%add3A_37, %dma_wait3A] : memref<10240x16xf32, #tpu.memory_space<vmem_shared>> -> memref<128x16xf32, #tpu.memory_space<vmem_shared>>
        %dma_wait3A_43 = arith.constant 0 : i32
        %dma_wait3A_44 = tpu.memref_slice %arg7[%add3A_37, %dma_wait3A_43] : memref<10240x16xf32, #tpu.memory_space<vmem_shared>> -> memref<128x16xf32, #tpu.memory_space<vmem_shared>>
        tpu.wait_dma2 semaphore(%run_scoped3A : memref<!tpu.dma_semaphore, #tpu.memory_space<semaphore_mem>>) src(%arg6 : memref<128x16xf32, #tpu.memory_space<vmem>>) dst(%dma_wait3A_44 : memref<128x16xf32, #tpu.memory_space<vmem_shared>>)
        tpu.yield
      }) : () -> ()
      %scan3A_38 = arith.constant 0 : i32
      scf.yield %scan3A_38 : i32
    }
    %scan3A_24 = arith.constant 5 : i32
    %barrier3A = arith.constant 0 : index
    tpu.barrier barrier_id(%barrier3A)
    %scan3A_25 = arith.constant 0 : i32
    %scan3A_26 = arith.constant 0 : i32
    %scan3A_27 = arith.constant 16 : i32
    %scan3A_28 = arith.addi %scan3A_26, %scan3A_27 : i32
    %scan3A_29 = arith.constant 1 : i32
    %scan3A_30 = scf.for %scan3A_33 = %scan3A_26 to %scan3A_28 step %scan3A_29 iter_args(%scan3A_34 = %scan3A_25) -> (i32)  : i32 {
      %mul3A_35 = arith.constant 5 : i32
      %mul3A_36 = arith.muli %scan3A_33, %mul3A_35 : i32
      %add3A_37 = arith.constant 0 : i32
      %add3A_38 = arith.addi %mul3A_36, %add3A_37 : i32
      %dma_start3A = arith.constant 0 : i32
      %dma_start3A_39 = tpu.memref_slice %arg4[%add3A_38, %dma_start3A] : memref<80x125xi32, #tpu.memory_space<vmem>> -> memref<1x125xi32, #tpu.memory_space<vmem>>
      %dma_start3A_40 = tpu.memref_squeeze %dma_start3A_39 : memref<1x125xi32, #tpu.memory_space<vmem>> -> memref<125xi32, #tpu.memory_space<vmem>>
      %dma_start3A_41 = arith.constant 0 : i32
      %dma_start3A_42 = arith.constant 0 : i32
      %dma_start3A_43 = tpu.memref_slice %arg7[%dma_start3A_41, %dma_start3A_42] : memref<10240x16xf32, #tpu.memory_space<vmem_shared>> -> memref<10240x16xf32, #tpu.memory_space<vmem_shared>>
      tpu.enqueue_indirect_dma source(%arg5 : memref<125x16xf32, #tpu.memory_space<vmem>>) target(%dma_start3A_43 : memref<10240x16xf32, #tpu.memory_space<vmem_shared>>) offsets(%dma_start3A_40 : memref<125xi32, #tpu.memory_space<vmem>>) semaphore(%arg8 : memref<!tpu.dma_semaphore, #tpu.memory_space<semaphore_mem>>) {add = true}
      %mul3A_44 = arith.constant 5 : i32
      %mul3A_45 = arith.muli %scan3A_33, %mul3A_44 : i32
      %add3A_46 = arith.constant 1 : i32
      %add3A_47 = arith.addi %mul3A_45, %add3A_46 : i32
      %dma_start3A_48 = arith.constant 0 : i32
      %dma_start3A_49 = tpu.memref_slice %arg4[%add3A_47, %dma_start3A_48] : memref<80x125xi32, #tpu.memory_space<vmem>> -> memref<1x125xi32, #tpu.memory_space<vmem>>
      %dma_start3A_50 = tpu.memref_squeeze %dma_start3A_49 : memref<1x125xi32, #tpu.memory_space<vmem>> -> memref<125xi32, #tpu.memory_space<vmem>>
      %dma_start3A_51 = arith.constant 0 : i32
      %dma_start3A_52 = arith.constant 0 : i32
      %dma_start3A_53 = tpu.memref_slice %arg7[%dma_start3A_51, %dma_start3A_52] : memref<10240x16xf32, #tpu.memory_space<vmem_shared>> -> memref<10240x16xf32, #tpu.memory_space<vmem_shared>>
      tpu.enqueue_indirect_dma source(%arg5 : memref<125x16xf32, #tpu.memory_space<vmem>>) target(%dma_start3A_53 : memref<10240x16xf32, #tpu.memory_space<vmem_shared>>) offsets(%dma_start3A_50 : memref<125xi32, #tpu.memory_space<vmem>>) semaphore(%arg8 : memref<!tpu.dma_semaphore, #tpu.memory_space<semaphore_mem>>) {add = true}
      %mul3A_54 = arith.constant 5 : i32
      %mul3A_55 = arith.muli %scan3A_33, %mul3A_54 : i32
      %add3A_56 = arith.constant 2 : i32
      %add3A_57 = arith.addi %mul3A_55, %add3A_56 : i32
      %dma_start3A_58 = arith.constant 0 : i32
      %dma_start3A_59 = tpu.memref_slice %arg4[%add3A_57, %dma_start3A_58] : memref<80x125xi32, #tpu.memory_space<vmem>> -> memref<1x125xi32, #tpu.memory_space<vmem>>
      %dma_start3A_60 = tpu.memref_squeeze %dma_start3A_59 : memref<1x125xi32, #tpu.memory_space<vmem>> -> memref<125xi32, #tpu.memory_space<vmem>>
      %dma_start3A_61 = arith.constant 0 : i32
      %dma_start3A_62 = arith.constant 0 : i32
      %dma_start3A_63 = tpu.memref_slice %arg7[%dma_start3A_61, %dma_start3A_62] : memref<10240x16xf32, #tpu.memory_space<vmem_shared>> -> memref<10240x16xf32, #tpu.memory_space<vmem_shared>>
      tpu.enqueue_indirect_dma source(%arg5 : memref<125x16xf32, #tpu.memory_space<vmem>>) target(%dma_start3A_63 : memref<10240x16xf32, #tpu.memory_space<vmem_shared>>) offsets(%dma_start3A_60 : memref<125xi32, #tpu.memory_space<vmem>>) semaphore(%arg8 : memref<!tpu.dma_semaphore, #tpu.memory_space<semaphore_mem>>) {add = true}
      %mul3A_64 = arith.constant 5 : i32
      %mul3A_65 = arith.muli %scan3A_33, %mul3A_64 : i32
      %add3A_66 = arith.constant 3 : i32
      %add3A_67 = arith.addi %mul3A_65, %add3A_66 : i32
      %dma_start3A_68 = arith.constant 0 : i32
      %dma_start3A_69 = tpu.memref_slice %arg4[%add3A_67, %dma_start3A_68] : memref<80x125xi32, #tpu.memory_space<vmem>> -> memref<1x125xi32, #tpu.memory_space<vmem>>
      %dma_start3A_70 = tpu.memref_squeeze %dma_start3A_69 : memref<1x125xi32, #tpu.memory_space<vmem>> -> memref<125xi32, #tpu.memory_space<vmem>>
      %dma_start3A_71 = arith.constant 0 : i32
      %dma_start3A_72 = arith.constant 0 : i32
      %dma_start3A_73 = tpu.memref_slice %arg7[%dma_start3A_71, %dma_start3A_72] : memref<10240x16xf32, #tpu.memory_space<vmem_shared>> -> memref<10240x16xf32, #tpu.memory_space<vmem_shared>>
      tpu.enqueue_indirect_dma source(%arg5 : memref<125x16xf32, #tpu.memory_space<vmem>>) target(%dma_start3A_73 : memref<10240x16xf32, #tpu.memory_space<vmem_shared>>) offsets(%dma_start3A_70 : memref<125xi32, #tpu.memory_space<vmem>>) semaphore(%arg8 : memref<!tpu.dma_semaphore, #tpu.memory_space<semaphore_mem>>) {add = true}
      %mul3A_74 = arith.constant 5 : i32
      %mul3A_75 = arith.muli %scan3A_33, %mul3A_74 : i32
      %add3A_76 = arith.constant 4 : i32
      %add3A_77 = arith.addi %mul3A_75, %add3A_76 : i32
      %dma_start3A_78 = arith.constant 0 : i32
      %dma_start3A_79 = tpu.memref_slice %arg4[%add3A_77, %dma_start3A_78] : memref<80x125xi32, #tpu.memory_space<vmem>> -> memref<1x125xi32, #tpu.memory_space<vmem>>
      %dma_start3A_80 = tpu.memref_squeeze %dma_start3A_79 : memref<1x125xi32, #tpu.memory_space<vmem>> -> memref<125xi32, #tpu.memory_space<vmem>>
      %dma_start3A_81 = arith.constant 0 : i32
      %dma_start3A_82 = arith.constant 0 : i32
      %dma_start3A_83 = tpu.memref_slice %arg7[%dma_start3A_81, %dma_start3A_82] : memref<10240x16xf32, #tpu.memory_space<vmem_shared>> -> memref<10240x16xf32, #tpu.memory_space<vmem_shared>>
      tpu.enqueue_indirect_dma source(%arg5 : memref<125x16xf32, #tpu.memory_space<vmem>>) target(%dma_start3A_83 : memref<10240x16xf32, #tpu.memory_space<vmem_shared>>) offsets(%dma_start3A_80 : memref<125xi32, #tpu.memory_space<vmem>>) semaphore(%arg8 : memref<!tpu.dma_semaphore, #tpu.memory_space<semaphore_mem>>) {add = true}
      %mul3A_84 = arith.constant 5 : i32
      %mul3A_85 = arith.muli %scan3A_33, %mul3A_84 : i32
      %add3A_86 = arith.constant 0 : i32
      %add3A_87 = arith.addi %mul3A_85, %add3A_86 : i32
      %dma_wait3A = arith.constant 0 : i32
      %dma_wait3A_88 = tpu.memref_slice %arg4[%add3A_87, %dma_wait3A] : memref<80x125xi32, #tpu.memory_space<vmem>> -> memref<1x125xi32, #tpu.memory_space<vmem>>
      %dma_wait3A_89 = tpu.memref_squeeze %dma_wait3A_88 : memref<1x125xi32, #tpu.memory_space<vmem>> -> memref<125xi32, #tpu.memory_space<vmem>>
      %dma_wait3A_90 = arith.constant 0 : i32
      %dma_wait3A_91 = arith.constant 0 : i32
      %dma_wait3A_92 = tpu.memref_slice %arg7[%dma_wait3A_90, %dma_wait3A_91] : memref<10240x16xf32, #tpu.memory_space<vmem_shared>> -> memref<10240x16xf32, #tpu.memory_space<vmem_shared>>
      tpu.wait_indirect_dma semaphore(%arg8 : memref<!tpu.dma_semaphore, #tpu.memory_space<semaphore_mem>>) src(%arg5 : memref<125x16xf32, #tpu.memory_space<vmem>>) dst(%dma_wait3A_92 : memref<10240x16xf32, #tpu.memory_space<vmem_shared>>)
      %mul3A_93 = arith.constant 5 : i32
      %mul3A_94 = arith.muli %scan3A_33, %mul3A_93 : i32
      %add3A_95 = arith.constant 1 : i32
      %add3A_96 = arith.addi %mul3A_94, %add3A_95 : i32
      %dma_wait3A_97 = arith.constant 0 : i32
      %dma_wait3A_98 = tpu.memref_slice %arg4[%add3A_96, %dma_wait3A_97] : memref<80x125xi32, #tpu.memory_space<vmem>> -> memref<1x125xi32, #tpu.memory_space<vmem>>
      %dma_wait3A_99 = tpu.memref_squeeze %dma_wait3A_98 : memref<1x125xi32, #tpu.memory_space<vmem>> -> memref<125xi32, #tpu.memory_space<vmem>>
      %dma_wait3A_100 = arith.constant 0 : i32
      %dma_wait3A_101 = arith.constant 0 : i32
      %dma_wait3A_102 = tpu.memref_slice %arg7[%dma_wait3A_100, %dma_wait3A_101] : memref<10240x16xf32, #tpu.memory_space<vmem_shared>> -> memref<10240x16xf32, #tpu.memory_space<vmem_shared>>
      tpu.wait_indirect_dma semaphore(%arg8 : memref<!tpu.dma_semaphore, #tpu.memory_space<semaphore_mem>>) src(%arg5 : memref<125x16xf32, #tpu.memory_space<vmem>>) dst(%dma_wait3A_102 : memref<10240x16xf32, #tpu.memory_space<vmem_shared>>)
      %mul3A_103 = arith.constant 5 : i32
      %mul3A_104 = arith.muli %scan3A_33, %mul3A_103 : i32
      %add3A_105 = arith.constant 2 : i32
      %add3A_106 = arith.addi %mul3A_104, %add3A_105 : i32
      %dma_wait3A_107 = arith.constant 0 : i32
      %dma_wait3A_108 = tpu.memref_slice %arg4[%add3A_106, %dma_wait3A_107] : memref<80x125xi32, #tpu.memory_space<vmem>> -> memref<1x125xi32, #tpu.memory_space<vmem>>
      %dma_wait3A_109 = tpu.memref_squeeze %dma_wait3A_108 : memref<1x125xi32, #tpu.memory_space<vmem>> -> memref<125xi32, #tpu.memory_space<vmem>>
      %dma_wait3A_110 = arith.constant 0 : i32
      %dma_wait3A_111 = arith.constant 0 : i32
      %dma_wait3A_112 = tpu.memref_slice %arg7[%dma_wait3A_110, %dma_wait3A_111] : memref<10240x16xf32, #tpu.memory_space<vmem_shared>> -> memref<10240x16xf32, #tpu.memory_space<vmem_shared>>
      tpu.wait_indirect_dma semaphore(%arg8 : memref<!tpu.dma_semaphore, #tpu.memory_space<semaphore_mem>>) src(%arg5 : memref<125x16xf32, #tpu.memory_space<vmem>>) dst(%dma_wait3A_112 : memref<10240x16xf32, #tpu.memory_space<vmem_shared>>)
      %mul3A_113 = arith.constant 5 : i32
      %mul3A_114 = arith.muli %scan3A_33, %mul3A_113 : i32
      %add3A_115 = arith.constant 3 : i32
      %add3A_116 = arith.addi %mul3A_114, %add3A_115 : i32
      %dma_wait3A_117 = arith.constant 0 : i32
      %dma_wait3A_118 = tpu.memref_slice %arg4[%add3A_116, %dma_wait3A_117] : memref<80x125xi32, #tpu.memory_space<vmem>> -> memref<1x125xi32, #tpu.memory_space<vmem>>
      %dma_wait3A_119 = tpu.memref_squeeze %dma_wait3A_118 : memref<1x125xi32, #tpu.memory_space<vmem>> -> memref<125xi32, #tpu.memory_space<vmem>>
      %dma_wait3A_120 = arith.constant 0 : i32
      %dma_wait3A_121 = arith.constant 0 : i32
      %dma_wait3A_122 = tpu.memref_slice %arg7[%dma_wait3A_120, %dma_wait3A_121] : memref<10240x16xf32, #tpu.memory_space<vmem_shared>> -> memref<10240x16xf32, #tpu.memory_space<vmem_shared>>
      tpu.wait_indirect_dma semaphore(%arg8 : memref<!tpu.dma_semaphore, #tpu.memory_space<semaphore_mem>>) src(%arg5 : memref<125x16xf32, #tpu.memory_space<vmem>>) dst(%dma_wait3A_122 : memref<10240x16xf32, #tpu.memory_space<vmem_shared>>)
      %mul3A_123 = arith.constant 5 : i32
      %mul3A_124 = arith.muli %scan3A_33, %mul3A_123 : i32
      %add3A_125 = arith.constant 4 : i32
      %add3A_126 = arith.addi %mul3A_124, %add3A_125 : i32
      %dma_wait3A_127 = arith.constant 0 : i32
      %dma_wait3A_128 = tpu.memref_slice %arg4[%add3A_126, %dma_wait3A_127] : memref<80x125xi32, #tpu.memory_space<vmem>> -> memref<1x125xi32, #tpu.memory_space<vmem>>
      %dma_wait3A_129 = tpu.memref_squeeze %dma_wait3A_128 : memref<1x125xi32, #tpu.memory_space<vmem>> -> memref<125xi32, #tpu.memory_space<vmem>>
      %dma_wait3A_130 = arith.constant 0 : i32
      %dma_wait3A_131 = arith.constant 0 : i32
      %dma_wait3A_132 = tpu.memref_slice %arg7[%dma_wait3A_130, %dma_wait3A_131] : memref<10240x16xf32, #tpu.memory_space<vmem_shared>> -> memref<10240x16xf32, #tpu.memory_space<vmem_shared>>
      tpu.wait_indirect_dma semaphore(%arg8 : memref<!tpu.dma_semaphore, #tpu.memory_space<semaphore_mem>>) src(%arg5 : memref<125x16xf32, #tpu.memory_space<vmem>>) dst(%dma_wait3A_132 : memref<10240x16xf32, #tpu.memory_space<vmem_shared>>)
      %scan3A_133 = arith.constant 0 : i32
      scf.yield %scan3A_133 : i32
    }
    %scan3A_31 = arith.constant 16 : i32
    %barrier3A_32 = arith.constant 0 : index
    tpu.barrier barrier_id(%barrier3A_32)
    "tpu.region"() ({
      %run_scoped3A = tpu.sem_alloc : memref<!tpu.dma_semaphore, #tpu.memory_space<semaphore_mem>>
      %dma_start3A = arith.constant 0 : i32
      %dma_start3A_33 = tpu.memref_slice %arg3[%arg0, %mul3A_17, %dma_start3A] : memref<2x10240x16xf32, #tpu.memory_space<hbm>> -> memref<1x640x16xf32, #tpu.memory_space<hbm>>
      %dma_start3A_34 = tpu.memref_squeeze %dma_start3A_33 : memref<1x640x16xf32, #tpu.memory_space<hbm>> -> memref<640x16xf32, #tpu.memory_space<hbm>>
      %dma_start3A_35 = arith.constant 0 : i32
      %dma_start3A_36 = tpu.memref_slice %arg7[%mul3A_17, %dma_start3A_35] : memref<10240x16xf32, #tpu.memory_space<vmem_shared>> -> memref<640x16xf32, #tpu.memory_space<vmem_shared>>
      tpu.enqueue_dma source(%dma_start3A_36 : memref<640x16xf32, #tpu.memory_space<vmem_shared>>) target(%dma_start3A_34 : memref<640x16xf32, #tpu.memory_space<hbm>>) target_semaphore(%run_scoped3A : memref<!tpu.dma_semaphore, #tpu.memory_space<semaphore_mem>>)
      %dma_wait3A = arith.constant 0 : i32
      %dma_wait3A_37 = tpu.memref_slice %arg3[%arg0, %mul3A_17, %dma_wait3A] : memref<2x10240x16xf32, #tpu.memory_space<hbm>> -> memref<1x640x16xf32, #tpu.memory_space<hbm>>
      %dma_wait3A_38 = tpu.memref_squeeze %dma_wait3A_37 : memref<1x640x16xf32, #tpu.memory_space<hbm>> -> memref<640x16xf32, #tpu.memory_space<hbm>>
      %dma_wait3A_39 = arith.constant 0 : i32
      %dma_wait3A_40 = tpu.memref_slice %arg7[%mul3A_17, %dma_wait3A_39] : memref<10240x16xf32, #tpu.memory_space<vmem_shared>> -> memref<640x16xf32, #tpu.memory_space<vmem_shared>>
      tpu.wait_dma2 semaphore(%run_scoped3A : memref<!tpu.dma_semaphore, #tpu.memory_space<semaphore_mem>>) src(%dma_wait3A_40 : memref<640x16xf32, #tpu.memory_space<vmem_shared>>) dst(%dma_wait3A_38 : memref<640x16xf32, #tpu.memory_space<hbm>>)
      tpu.yield
    }) : () -> ()
    return
  }
}

#map = affine_map<(d0, d1) -> (0, 0)>
#map1 = affine_map<(d0, d1) -> (0, 0, 0)>
module attributes {stable_mosaic.version = 14 : i64} {
  func.func @_scatter_body(%arg0: i32, %arg1: i32, %arg2: memref<10000x64xbf16, #tpu.memory_space<hbm>>, %arg3: memref<64x80x125xi32, #tpu.memory_space<hbm>>, %arg4: memref<2x10240x64xbf16, #tpu.memory_space<hbm>>, %arg5: memref<160x125xi32, #tpu.memory_space<vmem>>, %arg6: memref<125x64xbf16, #tpu.memory_space<vmem>>, %arg7: memref<125x64xbf16, #tpu.memory_space<vmem>>, %arg8: memref<125x64xbf16, #tpu.memory_space<vmem>>, %arg9: memref<125x64xbf16, #tpu.memory_space<vmem>>, %arg10: memref<10240x64xbf16, #tpu.memory_space<vmem_shared>>, %arg11: memref<!tpu.dma_semaphore, #tpu.memory_space<semaphore_mem>>, %arg12: memref<!tpu.dma_semaphore, #tpu.memory_space<semaphore_mem>>, %arg13: memref<!tpu.dma_semaphore, #tpu.memory_space<semaphore_mem>>, %arg14: memref<!tpu.dma_semaphore, #tpu.memory_space<semaphore_mem>>, %arg15: memref<!tpu.dma_semaphore, #tpu.memory_space<semaphore_mem>>, %arg16: memref<!tpu.dma_semaphore, #tpu.memory_space<semaphore_mem>>, %arg17: memref<!tpu.dma_semaphore, #tpu.memory_space<semaphore_mem>>, %arg18: memref<!tpu.dma_semaphore, #tpu.memory_space<semaphore_mem>>) attributes {dimension_semantics = [#tpu.dimension_semantics<core_parallel>, #tpu.dimension_semantics<subcore_parallel>], iteration_bounds = array<i64: 2, 16>, scalar_prefetch = 0 : i64, scratch_operands = 14 : i64, tpu.core_type = #tpu.core_type<sc_vector_subcore>, window_params = [{transform_indices = #map}, {transform_indices = #map1}, {transform_indices = #map1}]} {
    %mul3A = arith.constant 16 : i32
    %mul3A_0 = arith.muli %arg0, %mul3A : i32
    %add3A = arith.addi %mul3A_0, %arg1 : i32
    "tpu.region"() ({
      %run_scoped3A = tpu.sem_alloc : memref<!tpu.dma_semaphore, #tpu.memory_space<semaphore_mem>>
      %dma_start3A_57 = arith.constant 0 : i32
      %dma_start3A_58 = arith.constant 0 : i32
      %dma_start3A_59 = tpu.memref_slice %arg5[%dma_start3A_57, %dma_start3A_58] : memref<160x125xi32, #tpu.memory_space<vmem>> -> memref<80x125xi32, #tpu.memory_space<vmem>>
      %dma_start3A_60 = arith.constant 0 : i32
      %dma_start3A_61 = arith.constant 0 : i32
      %dma_start3A_62 = tpu.memref_slice %arg3[%add3A, %dma_start3A_60, %dma_start3A_61] : memref<64x80x125xi32, #tpu.memory_space<hbm>> -> memref<1x80x125xi32, #tpu.memory_space<hbm>>
      %dma_start3A_63 = tpu.memref_squeeze %dma_start3A_62 : memref<1x80x125xi32, #tpu.memory_space<hbm>> -> memref<80x125xi32, #tpu.memory_space<hbm>>
      %dma_start3A_64 = arith.constant 0 : i32
      %dma_start3A_65 = arith.constant 0 : i32
      %dma_start3A_66 = tpu.memref_slice %arg5[%dma_start3A_64, %dma_start3A_65] : memref<160x125xi32, #tpu.memory_space<vmem>> -> memref<80x125xi32, #tpu.memory_space<vmem>>
      %dma_start3A_67 = arith.constant 0 : i32
      %dma_start3A_68 = arith.constant 0 : i32
      %dma_start3A_69 = tpu.memref_slice %arg3[%add3A, %dma_start3A_67, %dma_start3A_68] : memref<64x80x125xi32, #tpu.memory_space<hbm>> -> memref<1x80x125xi32, #tpu.memory_space<hbm>>
      %dma_start3A_70 = tpu.memref_squeeze %dma_start3A_69 : memref<1x80x125xi32, #tpu.memory_space<hbm>> -> memref<80x125xi32, #tpu.memory_space<hbm>>
      tpu.enqueue_dma source(%dma_start3A_70 : memref<80x125xi32, #tpu.memory_space<hbm>>) target(%dma_start3A_66 : memref<80x125xi32, #tpu.memory_space<vmem>>) target_semaphore(%run_scoped3A : memref<!tpu.dma_semaphore, #tpu.memory_space<semaphore_mem>>)
      %dma_wait3A_71 = arith.constant 0 : i32
      %dma_wait3A_72 = arith.constant 0 : i32
      %dma_wait3A_73 = tpu.memref_slice %arg5[%dma_wait3A_71, %dma_wait3A_72] : memref<160x125xi32, #tpu.memory_space<vmem>> -> memref<80x125xi32, #tpu.memory_space<vmem>>
      %dma_wait3A_74 = arith.constant 0 : i32
      %dma_wait3A_75 = arith.constant 0 : i32
      %dma_wait3A_76 = tpu.memref_slice %arg3[%add3A, %dma_wait3A_74, %dma_wait3A_75] : memref<64x80x125xi32, #tpu.memory_space<hbm>> -> memref<1x80x125xi32, #tpu.memory_space<hbm>>
      %dma_wait3A_77 = tpu.memref_squeeze %dma_wait3A_76 : memref<1x80x125xi32, #tpu.memory_space<hbm>> -> memref<80x125xi32, #tpu.memory_space<hbm>>
      %dma_wait3A_78 = arith.constant 0 : i32
      %dma_wait3A_79 = arith.constant 0 : i32
      %dma_wait3A_80 = tpu.memref_slice %arg5[%dma_wait3A_78, %dma_wait3A_79] : memref<160x125xi32, #tpu.memory_space<vmem>> -> memref<80x125xi32, #tpu.memory_space<vmem>>
      %dma_wait3A_81 = arith.constant 0 : i32
      %dma_wait3A_82 = arith.constant 0 : i32
      %dma_wait3A_83 = tpu.memref_slice %arg3[%add3A, %dma_wait3A_81, %dma_wait3A_82] : memref<64x80x125xi32, #tpu.memory_space<hbm>> -> memref<1x80x125xi32, #tpu.memory_space<hbm>>
      %dma_wait3A_84 = tpu.memref_squeeze %dma_wait3A_83 : memref<1x80x125xi32, #tpu.memory_space<hbm>> -> memref<80x125xi32, #tpu.memory_space<hbm>>
      tpu.wait_dma2 semaphore(%run_scoped3A : memref<!tpu.dma_semaphore, #tpu.memory_space<semaphore_mem>>) src(%dma_wait3A_84 : memref<80x125xi32, #tpu.memory_space<hbm>>) dst(%dma_wait3A_80 : memref<80x125xi32, #tpu.memory_space<vmem>>)
      tpu.yield
    }) : () -> ()
    %add3A_1 = arith.constant 32 : i32
    %add3A_2 = arith.addi %add3A_1, %add3A : i32
    "tpu.region"() ({
      %run_scoped3A = tpu.sem_alloc : memref<!tpu.dma_semaphore, #tpu.memory_space<semaphore_mem>>
      %dma_start3A_57 = arith.constant 80 : i32
      %dma_start3A_58 = arith.constant 0 : i32
      %dma_start3A_59 = tpu.memref_slice %arg5[%dma_start3A_57, %dma_start3A_58] : memref<160x125xi32, #tpu.memory_space<vmem>> -> memref<80x125xi32, #tpu.memory_space<vmem>>
      %dma_start3A_60 = arith.constant 0 : i32
      %dma_start3A_61 = arith.constant 0 : i32
      %dma_start3A_62 = tpu.memref_slice %arg3[%add3A_2, %dma_start3A_60, %dma_start3A_61] : memref<64x80x125xi32, #tpu.memory_space<hbm>> -> memref<1x80x125xi32, #tpu.memory_space<hbm>>
      %dma_start3A_63 = tpu.memref_squeeze %dma_start3A_62 : memref<1x80x125xi32, #tpu.memory_space<hbm>> -> memref<80x125xi32, #tpu.memory_space<hbm>>
      %dma_start3A_64 = arith.constant 80 : i32
      %dma_start3A_65 = arith.constant 0 : i32
      %dma_start3A_66 = tpu.memref_slice %arg5[%dma_start3A_64, %dma_start3A_65] : memref<160x125xi32, #tpu.memory_space<vmem>> -> memref<80x125xi32, #tpu.memory_space<vmem>>
      %dma_start3A_67 = arith.constant 0 : i32
      %dma_start3A_68 = arith.constant 0 : i32
      %dma_start3A_69 = tpu.memref_slice %arg3[%add3A_2, %dma_start3A_67, %dma_start3A_68] : memref<64x80x125xi32, #tpu.memory_space<hbm>> -> memref<1x80x125xi32, #tpu.memory_space<hbm>>
      %dma_start3A_70 = tpu.memref_squeeze %dma_start3A_69 : memref<1x80x125xi32, #tpu.memory_space<hbm>> -> memref<80x125xi32, #tpu.memory_space<hbm>>
      tpu.enqueue_dma source(%dma_start3A_70 : memref<80x125xi32, #tpu.memory_space<hbm>>) target(%dma_start3A_66 : memref<80x125xi32, #tpu.memory_space<vmem>>) target_semaphore(%run_scoped3A : memref<!tpu.dma_semaphore, #tpu.memory_space<semaphore_mem>>)
      %dma_wait3A_71 = arith.constant 80 : i32
      %dma_wait3A_72 = arith.constant 0 : i32
      %dma_wait3A_73 = tpu.memref_slice %arg5[%dma_wait3A_71, %dma_wait3A_72] : memref<160x125xi32, #tpu.memory_space<vmem>> -> memref<80x125xi32, #tpu.memory_space<vmem>>
      %dma_wait3A_74 = arith.constant 0 : i32
      %dma_wait3A_75 = arith.constant 0 : i32
      %dma_wait3A_76 = tpu.memref_slice %arg3[%add3A_2, %dma_wait3A_74, %dma_wait3A_75] : memref<64x80x125xi32, #tpu.memory_space<hbm>> -> memref<1x80x125xi32, #tpu.memory_space<hbm>>
      %dma_wait3A_77 = tpu.memref_squeeze %dma_wait3A_76 : memref<1x80x125xi32, #tpu.memory_space<hbm>> -> memref<80x125xi32, #tpu.memory_space<hbm>>
      %dma_wait3A_78 = arith.constant 80 : i32
      %dma_wait3A_79 = arith.constant 0 : i32
      %dma_wait3A_80 = tpu.memref_slice %arg5[%dma_wait3A_78, %dma_wait3A_79] : memref<160x125xi32, #tpu.memory_space<vmem>> -> memref<80x125xi32, #tpu.memory_space<vmem>>
      %dma_wait3A_81 = arith.constant 0 : i32
      %dma_wait3A_82 = arith.constant 0 : i32
      %dma_wait3A_83 = tpu.memref_slice %arg3[%add3A_2, %dma_wait3A_81, %dma_wait3A_82] : memref<64x80x125xi32, #tpu.memory_space<hbm>> -> memref<1x80x125xi32, #tpu.memory_space<hbm>>
      %dma_wait3A_84 = tpu.memref_squeeze %dma_wait3A_83 : memref<1x80x125xi32, #tpu.memory_space<hbm>> -> memref<80x125xi32, #tpu.memory_space<hbm>>
      tpu.wait_dma2 semaphore(%run_scoped3A : memref<!tpu.dma_semaphore, #tpu.memory_space<semaphore_mem>>) src(%dma_wait3A_84 : memref<80x125xi32, #tpu.memory_space<hbm>>) dst(%dma_wait3A_80 : memref<80x125xi32, #tpu.memory_space<vmem>>)
      tpu.yield
    }) : () -> ()
    %scan3A = arith.constant 0 : i32
    %scan3A_3 = arith.constant 0 : i32
    %scan3A_4 = arith.constant 125 : i32
    %scan3A_5 = arith.addi %scan3A_3, %scan3A_4 : i32
    %scan3A_6 = arith.constant 1 : i32
    %scan3A_7 = scf.for %scan3A_57 = %scan3A_3 to %scan3A_5 step %scan3A_6 iter_args(%scan3A_58 = %scan3A) -> (i32)  : i32 {
      %broadcast_in_dim3A = arith.constant 0.000000e+00 : bf16
      %broadcast_in_dim3A_59 = vector.broadcast %broadcast_in_dim3A : bf16 to vector<32xbf16>
      %swap3A = arith.index_cast %scan3A_57 : i32 to index
      %swap3A_60 = arith.constant 0 : index
      %swap3A_61 = tpu.vector_load %arg6[%swap3A, %swap3A_60] {strides = array<i32>} : memref<125x64xbf16, #tpu.memory_space<vmem>>, vector<1x32xbf16>,
      %swap3A_62 = vector.shape_cast %swap3A_61 : vector<1x32xbf16> to vector<32xbf16>
      %swap3A_63 = vector.shape_cast %broadcast_in_dim3A_59 : vector<32xbf16> to vector<1x32xbf16>
      tpu.vector_store %arg6[%swap3A, %swap3A_60], %swap3A_63 {strides = array<i32>} : memref<125x64xbf16, #tpu.memory_space<vmem>>, vector<1x32xbf16>,
      %broadcast_in_dim3A_64 = arith.constant 0.000000e+00 : bf16
      %broadcast_in_dim3A_65 = vector.broadcast %broadcast_in_dim3A_64 : bf16 to vector<32xbf16>
      %swap3A_66 = arith.index_cast %scan3A_57 : i32 to index
      %swap3A_67 = arith.constant 32 : index
      %swap3A_68 = tpu.vector_load %arg6[%swap3A_66, %swap3A_67] {strides = array<i32>} : memref<125x64xbf16, #tpu.memory_space<vmem>>, vector<1x32xbf16>,
      %swap3A_69 = vector.shape_cast %swap3A_68 : vector<1x32xbf16> to vector<32xbf16>
      %swap3A_70 = vector.shape_cast %broadcast_in_dim3A_65 : vector<32xbf16> to vector<1x32xbf16>
      tpu.vector_store %arg6[%swap3A_66, %swap3A_67], %swap3A_70 {strides = array<i32>} : memref<125x64xbf16, #tpu.memory_space<vmem>>, vector<1x32xbf16>,
      %broadcast_in_dim3A_71 = arith.constant 0.000000e+00 : bf16
      %broadcast_in_dim3A_72 = vector.broadcast %broadcast_in_dim3A_71 : bf16 to vector<32xbf16>
      %swap3A_73 = arith.index_cast %scan3A_57 : i32 to index
      %swap3A_74 = arith.constant 0 : index
      %swap3A_75 = tpu.vector_load %arg7[%swap3A_73, %swap3A_74] {strides = array<i32>} : memref<125x64xbf16, #tpu.memory_space<vmem>>, vector<1x32xbf16>,
      %swap3A_76 = vector.shape_cast %swap3A_75 : vector<1x32xbf16> to vector<32xbf16>
      %swap3A_77 = vector.shape_cast %broadcast_in_dim3A_72 : vector<32xbf16> to vector<1x32xbf16>
      tpu.vector_store %arg7[%swap3A_73, %swap3A_74], %swap3A_77 {strides = array<i32>} : memref<125x64xbf16, #tpu.memory_space<vmem>>, vector<1x32xbf16>,
      %broadcast_in_dim3A_78 = arith.constant 0.000000e+00 : bf16
      %broadcast_in_dim3A_79 = vector.broadcast %broadcast_in_dim3A_78 : bf16 to vector<32xbf16>
      %swap3A_80 = arith.index_cast %scan3A_57 : i32 to index
      %swap3A_81 = arith.constant 32 : index
      %swap3A_82 = tpu.vector_load %arg7[%swap3A_80, %swap3A_81] {strides = array<i32>} : memref<125x64xbf16, #tpu.memory_space<vmem>>, vector<1x32xbf16>,
      %swap3A_83 = vector.shape_cast %swap3A_82 : vector<1x32xbf16> to vector<32xbf16>
      %swap3A_84 = vector.shape_cast %broadcast_in_dim3A_79 : vector<32xbf16> to vector<1x32xbf16>
      tpu.vector_store %arg7[%swap3A_80, %swap3A_81], %swap3A_84 {strides = array<i32>} : memref<125x64xbf16, #tpu.memory_space<vmem>>, vector<1x32xbf16>,
      %broadcast_in_dim3A_85 = arith.constant 0.000000e+00 : bf16
      %broadcast_in_dim3A_86 = vector.broadcast %broadcast_in_dim3A_85 : bf16 to vector<32xbf16>
      %swap3A_87 = arith.index_cast %scan3A_57 : i32 to index
      %swap3A_88 = arith.constant 0 : index
      %swap3A_89 = tpu.vector_load %arg8[%swap3A_87, %swap3A_88] {strides = array<i32>} : memref<125x64xbf16, #tpu.memory_space<vmem>>, vector<1x32xbf16>,
      %swap3A_90 = vector.shape_cast %swap3A_89 : vector<1x32xbf16> to vector<32xbf16>
      %swap3A_91 = vector.shape_cast %broadcast_in_dim3A_86 : vector<32xbf16> to vector<1x32xbf16>
      tpu.vector_store %arg8[%swap3A_87, %swap3A_88], %swap3A_91 {strides = array<i32>} : memref<125x64xbf16, #tpu.memory_space<vmem>>, vector<1x32xbf16>,
      %broadcast_in_dim3A_92 = arith.constant 0.000000e+00 : bf16
      %broadcast_in_dim3A_93 = vector.broadcast %broadcast_in_dim3A_92 : bf16 to vector<32xbf16>
      %swap3A_94 = arith.index_cast %scan3A_57 : i32 to index
      %swap3A_95 = arith.constant 32 : index
      %swap3A_96 = tpu.vector_load %arg8[%swap3A_94, %swap3A_95] {strides = array<i32>} : memref<125x64xbf16, #tpu.memory_space<vmem>>, vector<1x32xbf16>,
      %swap3A_97 = vector.shape_cast %swap3A_96 : vector<1x32xbf16> to vector<32xbf16>
      %swap3A_98 = vector.shape_cast %broadcast_in_dim3A_93 : vector<32xbf16> to vector<1x32xbf16>
      tpu.vector_store %arg8[%swap3A_94, %swap3A_95], %swap3A_98 {strides = array<i32>} : memref<125x64xbf16, #tpu.memory_space<vmem>>, vector<1x32xbf16>,
      %broadcast_in_dim3A_99 = arith.constant 0.000000e+00 : bf16
      %broadcast_in_dim3A_100 = vector.broadcast %broadcast_in_dim3A_99 : bf16 to vector<32xbf16>
      %swap3A_101 = arith.index_cast %scan3A_57 : i32 to index
      %swap3A_102 = arith.constant 0 : index
      %swap3A_103 = tpu.vector_load %arg9[%swap3A_101, %swap3A_102] {strides = array<i32>} : memref<125x64xbf16, #tpu.memory_space<vmem>>, vector<1x32xbf16>,
      %swap3A_104 = vector.shape_cast %swap3A_103 : vector<1x32xbf16> to vector<32xbf16>
      %swap3A_105 = vector.shape_cast %broadcast_in_dim3A_100 : vector<32xbf16> to vector<1x32xbf16>
      tpu.vector_store %arg9[%swap3A_101, %swap3A_102], %swap3A_105 {strides = array<i32>} : memref<125x64xbf16, #tpu.memory_space<vmem>>, vector<1x32xbf16>,
      %broadcast_in_dim3A_106 = arith.constant 0.000000e+00 : bf16
      %broadcast_in_dim3A_107 = vector.broadcast %broadcast_in_dim3A_106 : bf16 to vector<32xbf16>
      %swap3A_108 = arith.index_cast %scan3A_57 : i32 to index
      %swap3A_109 = arith.constant 32 : index
      %swap3A_110 = tpu.vector_load %arg9[%swap3A_108, %swap3A_109] {strides = array<i32>} : memref<125x64xbf16, #tpu.memory_space<vmem>>, vector<1x32xbf16>,
      %swap3A_111 = vector.shape_cast %swap3A_110 : vector<1x32xbf16> to vector<32xbf16>
      %swap3A_112 = vector.shape_cast %broadcast_in_dim3A_107 : vector<32xbf16> to vector<1x32xbf16>
      tpu.vector_store %arg9[%swap3A_108, %swap3A_109], %swap3A_112 {strides = array<i32>} : memref<125x64xbf16, #tpu.memory_space<vmem>>, vector<1x32xbf16>,
      %scan3A_113 = arith.constant 0 : i32
      scf.yield %scan3A_113 : i32
    }
    %scan3A_8 = arith.constant 125 : i32
    %mul3A_9 = arith.constant 640 : i32
    %mul3A_10 = arith.muli %arg1, %mul3A_9 : i32
    %add3A_11 = arith.constant 0 : i32
    %add3A_12 = arith.addi %mul3A_10, %add3A_11 : i32
    "tpu.region"() ({
      %run_scoped3A = tpu.sem_alloc : memref<!tpu.dma_semaphore, #tpu.memory_space<semaphore_mem>>
      %dma_start3A_57 = arith.constant 0 : i32
      %dma_start3A_58 = tpu.memref_slice %arg10[%add3A_12, %dma_start3A_57] : memref<10240x64xbf16, #tpu.memory_space<vmem_shared>> -> memref<125x64xbf16, #tpu.memory_space<vmem_shared>>
      %dma_start3A_59 = arith.constant 0 : i32
      %dma_start3A_60 = tpu.memref_slice %arg10[%add3A_12, %dma_start3A_59] : memref<10240x64xbf16, #tpu.memory_space<vmem_shared>> -> memref<125x64xbf16, #tpu.memory_space<vmem_shared>>
      tpu.enqueue_dma source(%arg6 : memref<125x64xbf16, #tpu.memory_space<vmem>>) target(%dma_start3A_60 : memref<125x64xbf16, #tpu.memory_space<vmem_shared>>) target_semaphore(%run_scoped3A : memref<!tpu.dma_semaphore, #tpu.memory_space<semaphore_mem>>)
      %dma_wait3A_61 = arith.constant 0 : i32
      %dma_wait3A_62 = tpu.memref_slice %arg10[%add3A_12, %dma_wait3A_61] : memref<10240x64xbf16, #tpu.memory_space<vmem_shared>> -> memref<125x64xbf16, #tpu.memory_space<vmem_shared>>
      %dma_wait3A_63 = arith.constant 0 : i32
      %dma_wait3A_64 = tpu.memref_slice %arg10[%add3A_12, %dma_wait3A_63] : memref<10240x64xbf16, #tpu.memory_space<vmem_shared>> -> memref<125x64xbf16, #tpu.memory_space<vmem_shared>>
      tpu.wait_dma2 semaphore(%run_scoped3A : memref<!tpu.dma_semaphore, #tpu.memory_space<semaphore_mem>>) src(%arg6 : memref<125x64xbf16, #tpu.memory_space<vmem>>) dst(%dma_wait3A_64 : memref<125x64xbf16, #tpu.memory_space<vmem_shared>>)
      tpu.yield
    }) : () -> ()
    %add3A_13 = arith.constant 125 : i32
    %add3A_14 = arith.addi %mul3A_10, %add3A_13 : i32
    "tpu.region"() ({
      %run_scoped3A = tpu.sem_alloc : memref<!tpu.dma_semaphore, #tpu.memory_space<semaphore_mem>>
      %dma_start3A_57 = arith.constant 0 : i32
      %dma_start3A_58 = tpu.memref_slice %arg10[%add3A_14, %dma_start3A_57] : memref<10240x64xbf16, #tpu.memory_space<vmem_shared>> -> memref<125x64xbf16, #tpu.memory_space<vmem_shared>>
      %dma_start3A_59 = arith.constant 0 : i32
      %dma_start3A_60 = tpu.memref_slice %arg10[%add3A_14, %dma_start3A_59] : memref<10240x64xbf16, #tpu.memory_space<vmem_shared>> -> memref<125x64xbf16, #tpu.memory_space<vmem_shared>>
      tpu.enqueue_dma source(%arg7 : memref<125x64xbf16, #tpu.memory_space<vmem>>) target(%dma_start3A_60 : memref<125x64xbf16, #tpu.memory_space<vmem_shared>>) target_semaphore(%run_scoped3A : memref<!tpu.dma_semaphore, #tpu.memory_space<semaphore_mem>>)
      %dma_wait3A_61 = arith.constant 0 : i32
      %dma_wait3A_62 = tpu.memref_slice %arg10[%add3A_14, %dma_wait3A_61] : memref<10240x64xbf16, #tpu.memory_space<vmem_shared>> -> memref<125x64xbf16, #tpu.memory_space<vmem_shared>>
      %dma_wait3A_63 = arith.constant 0 : i32
      %dma_wait3A_64 = tpu.memref_slice %arg10[%add3A_14, %dma_wait3A_63] : memref<10240x64xbf16, #tpu.memory_space<vmem_shared>> -> memref<125x64xbf16, #tpu.memory_space<vmem_shared>>
      tpu.wait_dma2 semaphore(%run_scoped3A : memref<!tpu.dma_semaphore, #tpu.memory_space<semaphore_mem>>) src(%arg7 : memref<125x64xbf16, #tpu.memory_space<vmem>>) dst(%dma_wait3A_64 : memref<125x64xbf16, #tpu.memory_space<vmem_shared>>)
      tpu.yield
    }) : () -> ()
    %add3A_15 = arith.constant 250 : i32
    %add3A_16 = arith.addi %mul3A_10, %add3A_15 : i32
    "tpu.region"() ({
      %run_scoped3A = tpu.sem_alloc : memref<!tpu.dma_semaphore, #tpu.memory_space<semaphore_mem>>
      %dma_start3A_57 = arith.constant 0 : i32
      %dma_start3A_58 = tpu.memref_slice %arg10[%add3A_16, %dma_start3A_57] : memref<10240x64xbf16, #tpu.memory_space<vmem_shared>> -> memref<125x64xbf16, #tpu.memory_space<vmem_shared>>
      %dma_start3A_59 = arith.constant 0 : i32
      %dma_start3A_60 = tpu.memref_slice %arg10[%add3A_16, %dma_start3A_59] : memref<10240x64xbf16, #tpu.memory_space<vmem_shared>> -> memref<125x64xbf16, #tpu.memory_space<vmem_shared>>
      tpu.enqueue_dma source(%arg8 : memref<125x64xbf16, #tpu.memory_space<vmem>>) target(%dma_start3A_60 : memref<125x64xbf16, #tpu.memory_space<vmem_shared>>) target_semaphore(%run_scoped3A : memref<!tpu.dma_semaphore, #tpu.memory_space<semaphore_mem>>)
      %dma_wait3A_61 = arith.constant 0 : i32
      %dma_wait3A_62 = tpu.memref_slice %arg10[%add3A_16, %dma_wait3A_61] : memref<10240x64xbf16, #tpu.memory_space<vmem_shared>> -> memref<125x64xbf16, #tpu.memory_space<vmem_shared>>
      %dma_wait3A_63 = arith.constant 0 : i32
      %dma_wait3A_64 = tpu.memref_slice %arg10[%add3A_16, %dma_wait3A_63] : memref<10240x64xbf16, #tpu.memory_space<vmem_shared>> -> memref<125x64xbf16, #tpu.memory_space<vmem_shared>>
      tpu.wait_dma2 semaphore(%run_scoped3A : memref<!tpu.dma_semaphore, #tpu.memory_space<semaphore_mem>>) src(%arg8 : memref<125x64xbf16, #tpu.memory_space<vmem>>) dst(%dma_wait3A_64 : memref<125x64xbf16, #tpu.memory_space<vmem_shared>>)
      tpu.yield
    }) : () -> ()
    %add3A_17 = arith.constant 375 : i32
    %add3A_18 = arith.addi %mul3A_10, %add3A_17 : i32
    "tpu.region"() ({
      %run_scoped3A = tpu.sem_alloc : memref<!tpu.dma_semaphore, #tpu.memory_space<semaphore_mem>>
      %dma_start3A_57 = arith.constant 0 : i32
      %dma_start3A_58 = tpu.memref_slice %arg10[%add3A_18, %dma_start3A_57] : memref<10240x64xbf16, #tpu.memory_space<vmem_shared>> -> memref<125x64xbf16, #tpu.memory_space<vmem_shared>>
      %dma_start3A_59 = arith.constant 0 : i32
      %dma_start3A_60 = tpu.memref_slice %arg10[%add3A_18, %dma_start3A_59] : memref<10240x64xbf16, #tpu.memory_space<vmem_shared>> -> memref<125x64xbf16, #tpu.memory_space<vmem_shared>>
      tpu.enqueue_dma source(%arg9 : memref<125x64xbf16, #tpu.memory_space<vmem>>) target(%dma_start3A_60 : memref<125x64xbf16, #tpu.memory_space<vmem_shared>>) target_semaphore(%run_scoped3A : memref<!tpu.dma_semaphore, #tpu.memory_space<semaphore_mem>>)
      %dma_wait3A_61 = arith.constant 0 : i32
      %dma_wait3A_62 = tpu.memref_slice %arg10[%add3A_18, %dma_wait3A_61] : memref<10240x64xbf16, #tpu.memory_space<vmem_shared>> -> memref<125x64xbf16, #tpu.memory_space<vmem_shared>>
      %dma_wait3A_63 = arith.constant 0 : i32
      %dma_wait3A_64 = tpu.memref_slice %arg10[%add3A_18, %dma_wait3A_63] : memref<10240x64xbf16, #tpu.memory_space<vmem_shared>> -> memref<125x64xbf16, #tpu.memory_space<vmem_shared>>
      tpu.wait_dma2 semaphore(%run_scoped3A : memref<!tpu.dma_semaphore, #tpu.memory_space<semaphore_mem>>) src(%arg9 : memref<125x64xbf16, #tpu.memory_space<vmem>>) dst(%dma_wait3A_64 : memref<125x64xbf16, #tpu.memory_space<vmem_shared>>)
      tpu.yield
    }) : () -> ()
    %add3A_19 = arith.constant 500 : i32
    %add3A_20 = arith.addi %mul3A_10, %add3A_19 : i32
    "tpu.region"() ({
      %run_scoped3A = tpu.sem_alloc : memref<!tpu.dma_semaphore, #tpu.memory_space<semaphore_mem>>
      %dma_start3A_57 = arith.constant 0 : i32
      %dma_start3A_58 = tpu.memref_slice %arg10[%add3A_20, %dma_start3A_57] : memref<10240x64xbf16, #tpu.memory_space<vmem_shared>> -> memref<125x64xbf16, #tpu.memory_space<vmem_shared>>
      %dma_start3A_59 = arith.constant 0 : i32
      %dma_start3A_60 = tpu.memref_slice %arg10[%add3A_20, %dma_start3A_59] : memref<10240x64xbf16, #tpu.memory_space<vmem_shared>> -> memref<125x64xbf16, #tpu.memory_space<vmem_shared>>
      tpu.enqueue_dma source(%arg6 : memref<125x64xbf16, #tpu.memory_space<vmem>>) target(%dma_start3A_60 : memref<125x64xbf16, #tpu.memory_space<vmem_shared>>) target_semaphore(%run_scoped3A : memref<!tpu.dma_semaphore, #tpu.memory_space<semaphore_mem>>)
      %dma_wait3A_61 = arith.constant 0 : i32
      %dma_wait3A_62 = tpu.memref_slice %arg10[%add3A_20, %dma_wait3A_61] : memref<10240x64xbf16, #tpu.memory_space<vmem_shared>> -> memref<125x64xbf16, #tpu.memory_space<vmem_shared>>
      %dma_wait3A_63 = arith.constant 0 : i32
      %dma_wait3A_64 = tpu.memref_slice %arg10[%add3A_20, %dma_wait3A_63] : memref<10240x64xbf16, #tpu.memory_space<vmem_shared>> -> memref<125x64xbf16, #tpu.memory_space<vmem_shared>>
      tpu.wait_dma2 semaphore(%run_scoped3A : memref<!tpu.dma_semaphore, #tpu.memory_space<semaphore_mem>>) src(%arg6 : memref<125x64xbf16, #tpu.memory_space<vmem>>) dst(%dma_wait3A_64 : memref<125x64xbf16, #tpu.memory_space<vmem_shared>>)
      tpu.yield
    }) : () -> ()
    %add3A_21 = arith.constant 625 : i32
    %add3A_22 = arith.addi %mul3A_10, %add3A_21 : i32
    "tpu.region"() ({
      %run_scoped3A = tpu.sem_alloc : memref<!tpu.dma_semaphore, #tpu.memory_space<semaphore_mem>>
      %dma_start3A_57 = arith.constant 0 : i32
      %dma_start3A_58 = arith.constant 0 : i32
      %dma_start3A_59 = tpu.memref_slice %arg7[%dma_start3A_57, %dma_start3A_58] : memref<125x64xbf16, #tpu.memory_space<vmem>> -> memref<15x64xbf16, #tpu.memory_space<vmem>>
      %dma_start3A_60 = arith.constant 0 : i32
      %dma_start3A_61 = tpu.memref_slice %arg10[%add3A_22, %dma_start3A_60] : memref<10240x64xbf16, #tpu.memory_space<vmem_shared>> -> memref<15x64xbf16, #tpu.memory_space<vmem_shared>>
      %dma_start3A_62 = arith.constant 0 : i32
      %dma_start3A_63 = tpu.memref_slice %arg10[%add3A_22, %dma_start3A_62] : memref<10240x64xbf16, #tpu.memory_space<vmem_shared>> -> memref<15x64xbf16, #tpu.memory_space<vmem_shared>>
      %dma_start3A_64 = arith.constant 0 : i32
      %dma_start3A_65 = arith.constant 0 : i32
      %dma_start3A_66 = tpu.memref_slice %arg7[%dma_start3A_64, %dma_start3A_65] : memref<125x64xbf16, #tpu.memory_space<vmem>> -> memref<15x64xbf16, #tpu.memory_space<vmem>>
      tpu.enqueue_dma source(%dma_start3A_66 : memref<15x64xbf16, #tpu.memory_space<vmem>>) target(%dma_start3A_63 : memref<15x64xbf16, #tpu.memory_space<vmem_shared>>) target_semaphore(%run_scoped3A : memref<!tpu.dma_semaphore, #tpu.memory_space<semaphore_mem>>)
      %dma_wait3A_67 = arith.constant 0 : i32
      %dma_wait3A_68 = arith.constant 0 : i32
      %dma_wait3A_69 = tpu.memref_slice %arg7[%dma_wait3A_67, %dma_wait3A_68] : memref<125x64xbf16, #tpu.memory_space<vmem>> -> memref<15x64xbf16, #tpu.memory_space<vmem>>
      %dma_wait3A_70 = arith.constant 0 : i32
      %dma_wait3A_71 = tpu.memref_slice %arg10[%add3A_22, %dma_wait3A_70] : memref<10240x64xbf16, #tpu.memory_space<vmem_shared>> -> memref<15x64xbf16, #tpu.memory_space<vmem_shared>>
      %dma_wait3A_72 = arith.constant 0 : i32
      %dma_wait3A_73 = tpu.memref_slice %arg10[%add3A_22, %dma_wait3A_72] : memref<10240x64xbf16, #tpu.memory_space<vmem_shared>> -> memref<15x64xbf16, #tpu.memory_space<vmem_shared>>
      %dma_wait3A_74 = arith.constant 0 : i32
      %dma_wait3A_75 = arith.constant 0 : i32
      %dma_wait3A_76 = tpu.memref_slice %arg7[%dma_wait3A_74, %dma_wait3A_75] : memref<125x64xbf16, #tpu.memory_space<vmem>> -> memref<15x64xbf16, #tpu.memory_space<vmem>>
      tpu.wait_dma2 semaphore(%run_scoped3A : memref<!tpu.dma_semaphore, #tpu.memory_space<semaphore_mem>>) src(%dma_wait3A_76 : memref<15x64xbf16, #tpu.memory_space<vmem>>) dst(%dma_wait3A_73 : memref<15x64xbf16, #tpu.memory_space<vmem_shared>>)
      tpu.yield
    }) : () -> ()
    %barrier3A = arith.constant 0 : index
    tpu.barrier barrier_id(%barrier3A)
    %dma_start3A = arith.constant 0 : i32
    %dma_start3A_23 = arith.constant 0 : i32
    %dma_start3A_24 = tpu.memref_slice %arg5[%dma_start3A, %dma_start3A_23] : memref<160x125xi32, #tpu.memory_space<vmem>> -> memref<1x125xi32, #tpu.memory_space<vmem>>
    %dma_start3A_25 = tpu.memref_squeeze %dma_start3A_24 : memref<1x125xi32, #tpu.memory_space<vmem>> -> memref<125xi32, #tpu.memory_space<vmem>>
    %dma_start3A_26 = arith.constant 0 : i32
    %dma_start3A_27 = arith.constant 0 : i32
    %dma_start3A_28 = tpu.memref_slice %arg2[%dma_start3A_26, %dma_start3A_27] : memref<10000x64xbf16, #tpu.memory_space<hbm>> -> memref<10000x64xbf16, #tpu.memory_space<hbm>>
    tpu.enqueue_indirect_dma source(%dma_start3A_28 : memref<10000x64xbf16, #tpu.memory_space<hbm>>) target(%arg6 : memref<125x64xbf16, #tpu.memory_space<vmem>>) offsets(%dma_start3A_25 : memref<125xi32, #tpu.memory_space<vmem>>) semaphore(%arg11 : memref<!tpu.dma_semaphore, #tpu.memory_space<semaphore_mem>>)
    %dma_start3A_29 = arith.constant 1 : i32
    %dma_start3A_30 = arith.constant 0 : i32
    %dma_start3A_31 = tpu.memref_slice %arg5[%dma_start3A_29, %dma_start3A_30] : memref<160x125xi32, #tpu.memory_space<vmem>> -> memref<1x125xi32, #tpu.memory_space<vmem>>
    %dma_start3A_32 = tpu.memref_squeeze %dma_start3A_31 : memref<1x125xi32, #tpu.memory_space<vmem>> -> memref<125xi32, #tpu.memory_space<vmem>>
    %dma_start3A_33 = arith.constant 0 : i32
    %dma_start3A_34 = arith.constant 0 : i32
    %dma_start3A_35 = tpu.memref_slice %arg2[%dma_start3A_33, %dma_start3A_34] : memref<10000x64xbf16, #tpu.memory_space<hbm>> -> memref<10000x64xbf16, #tpu.memory_space<hbm>>
    tpu.enqueue_indirect_dma source(%dma_start3A_35 : memref<10000x64xbf16, #tpu.memory_space<hbm>>) target(%arg7 : memref<125x64xbf16, #tpu.memory_space<vmem>>) offsets(%dma_start3A_32 : memref<125xi32, #tpu.memory_space<vmem>>) semaphore(%arg12 : memref<!tpu.dma_semaphore, #tpu.memory_space<semaphore_mem>>)
    %scan3A_36 = arith.constant 0 : i32
    %scan3A_37 = arith.constant 0 : i32
    %scan3A_38 = arith.constant 20 : i32
    %scan3A_39 = arith.addi %scan3A_37, %scan3A_38 : i32
    %scan3A_40 = arith.constant 1 : i32
    %scan3A_41 = scf.for %scan3A_57 = %scan3A_37 to %scan3A_39 step %scan3A_40 iter_args(%scan3A_58 = %scan3A_36) -> (i32)  : i32 {
      %mul3A_59 = arith.constant 4 : i32
      %mul3A_60 = arith.muli %scan3A_57, %mul3A_59 : i32
      %add3A_61 = arith.constant 0 : i32
      %add3A_62 = arith.addi %mul3A_60, %add3A_61 : i32
      %dma_wait3A_63 = arith.constant 0 : i32
      %dma_wait3A_64 = tpu.memref_slice %arg5[%add3A_62, %dma_wait3A_63] : memref<160x125xi32, #tpu.memory_space<vmem>> -> memref<1x125xi32, #tpu.memory_space<vmem>>
      %dma_wait3A_65 = tpu.memref_squeeze %dma_wait3A_64 : memref<1x125xi32, #tpu.memory_space<vmem>> -> memref<125xi32, #tpu.memory_space<vmem>>
      %dma_wait3A_66 = arith.constant 0 : i32
      %dma_wait3A_67 = arith.constant 0 : i32
      %dma_wait3A_68 = tpu.memref_slice %arg2[%dma_wait3A_66, %dma_wait3A_67] : memref<10000x64xbf16, #tpu.memory_space<hbm>> -> memref<10000x64xbf16, #tpu.memory_space<hbm>>
      tpu.wait_indirect_dma semaphore(%arg11 : memref<!tpu.dma_semaphore, #tpu.memory_space<semaphore_mem>>) src(%dma_wait3A_68 : memref<10000x64xbf16, #tpu.memory_space<hbm>>) dst(%arg6 : memref<125x64xbf16, #tpu.memory_space<vmem>>)
      %add3A_69 = arith.constant 80 : i32
      %add3A_70 = arith.addi %add3A_69, %add3A_62 : i32
      %dma_start3A_71 = arith.constant 0 : i32
      %dma_start3A_72 = tpu.memref_slice %arg5[%add3A_70, %dma_start3A_71] : memref<160x125xi32, #tpu.memory_space<vmem>> -> memref<1x125xi32, #tpu.memory_space<vmem>>
      %dma_start3A_73 = tpu.memref_squeeze %dma_start3A_72 : memref<1x125xi32, #tpu.memory_space<vmem>> -> memref<125xi32, #tpu.memory_space<vmem>>
      %dma_start3A_74 = arith.constant 0 : i32
      %dma_start3A_75 = arith.constant 0 : i32
      %dma_start3A_76 = tpu.memref_slice %arg10[%dma_start3A_74, %dma_start3A_75] : memref<10240x64xbf16, #tpu.memory_space<vmem_shared>> -> memref<10240x64xbf16, #tpu.memory_space<vmem_shared>>
      tpu.enqueue_indirect_dma source(%arg6 : memref<125x64xbf16, #tpu.memory_space<vmem>>) target(%dma_start3A_76 : memref<10240x64xbf16, #tpu.memory_space<vmem_shared>>) offsets(%dma_start3A_73 : memref<125xi32, #tpu.memory_space<vmem>>) semaphore(%arg15 : memref<!tpu.dma_semaphore, #tpu.memory_space<semaphore_mem>>) {add = true}
      %ge3A = arith.constant 2 : i32
      %ge3A_77 = arith.cmpi sge, %add3A_62, %ge3A : i32
      %convert_element_type3A = arith.extui %ge3A_77 : i1 to i32
      %cond3A = arith.constant 0 : i32
      %cond3A_78 = arith.cmpi ne, %convert_element_type3A, %cond3A : i32
      scf.if %cond3A_78 {
        %add3A_176 = arith.constant 80 : i32
        %add3A_177 = arith.addi %add3A_176, %add3A_62 : i32
        %sub3A = arith.constant 2 : i32
        %sub3A_178 = arith.subi %add3A_177, %sub3A : i32
        %dma_wait3A_179 = arith.constant 0 : i32
        %dma_wait3A_180 = tpu.memref_slice %arg5[%sub3A_178, %dma_wait3A_179] : memref<160x125xi32, #tpu.memory_space<vmem>> -> memref<1x125xi32, #tpu.memory_space<vmem>>
        %dma_wait3A_181 = tpu.memref_squeeze %dma_wait3A_180 : memref<1x125xi32, #tpu.memory_space<vmem>> -> memref<125xi32, #tpu.memory_space<vmem>>
        %dma_wait3A_182 = arith.constant 0 : i32
        %dma_wait3A_183 = arith.constant 0 : i32
        %dma_wait3A_184 = tpu.memref_slice %arg10[%dma_wait3A_182, %dma_wait3A_183] : memref<10240x64xbf16, #tpu.memory_space<vmem_shared>> -> memref<10240x64xbf16, #tpu.memory_space<vmem_shared>>
        tpu.wait_indirect_dma semaphore(%arg17 : memref<!tpu.dma_semaphore, #tpu.memory_space<semaphore_mem>>) src(%arg8 : memref<125x64xbf16, #tpu.memory_space<vmem>>) dst(%dma_wait3A_184 : memref<10240x64xbf16, #tpu.memory_space<vmem_shared>>)
      } else {
      }
      %add3A_79 = arith.constant 2 : i32
      %add3A_80 = arith.addi %add3A_62, %add3A_79 : i32
      %lt3A = arith.constant 80 : i32
      %lt3A_81 = arith.cmpi slt, %add3A_80, %lt3A : i32
      %convert_element_type3A_82 = arith.extui %lt3A_81 : i1 to i32
      %cond3A_83 = arith.constant 0 : i32
      %cond3A_84 = arith.cmpi ne, %convert_element_type3A_82, %cond3A_83 : i32
      scf.if %cond3A_84 {
        %add3A_176 = arith.constant 2 : i32
        %add3A_177 = arith.addi %add3A_62, %add3A_176 : i32
        %dma_start3A_178 = arith.constant 0 : i32
        %dma_start3A_179 = tpu.memref_slice %arg5[%add3A_177, %dma_start3A_178] : memref<160x125xi32, #tpu.memory_space<vmem>> -> memref<1x125xi32, #tpu.memory_space<vmem>>
        %dma_start3A_180 = tpu.memref_squeeze %dma_start3A_179 : memref<1x125xi32, #tpu.memory_space<vmem>> -> memref<125xi32, #tpu.memory_space<vmem>>
        %dma_start3A_181 = arith.constant 0 : i32
        %dma_start3A_182 = arith.constant 0 : i32
        %dma_start3A_183 = tpu.memref_slice %arg2[%dma_start3A_181, %dma_start3A_182] : memref<10000x64xbf16, #tpu.memory_space<hbm>> -> memref<10000x64xbf16, #tpu.memory_space<hbm>>
        tpu.enqueue_indirect_dma source(%dma_start3A_183 : memref<10000x64xbf16, #tpu.memory_space<hbm>>) target(%arg8 : memref<125x64xbf16, #tpu.memory_space<vmem>>) offsets(%dma_start3A_180 : memref<125xi32, #tpu.memory_space<vmem>>) semaphore(%arg13 : memref<!tpu.dma_semaphore, #tpu.memory_space<semaphore_mem>>)
      } else {
      }
      %mul3A_85 = arith.constant 4 : i32
      %mul3A_86 = arith.muli %scan3A_57, %mul3A_85 : i32
      %add3A_87 = arith.constant 1 : i32
      %add3A_88 = arith.addi %mul3A_86, %add3A_87 : i32
      %dma_wait3A_89 = arith.constant 0 : i32
      %dma_wait3A_90 = tpu.memref_slice %arg5[%add3A_88, %dma_wait3A_89] : memref<160x125xi32, #tpu.memory_space<vmem>> -> memref<1x125xi32, #tpu.memory_space<vmem>>
      %dma_wait3A_91 = tpu.memref_squeeze %dma_wait3A_90 : memref<1x125xi32, #tpu.memory_space<vmem>> -> memref<125xi32, #tpu.memory_space<vmem>>
      %dma_wait3A_92 = arith.constant 0 : i32
      %dma_wait3A_93 = arith.constant 0 : i32
      %dma_wait3A_94 = tpu.memref_slice %arg2[%dma_wait3A_92, %dma_wait3A_93] : memref<10000x64xbf16, #tpu.memory_space<hbm>> -> memref<10000x64xbf16, #tpu.memory_space<hbm>>
      tpu.wait_indirect_dma semaphore(%arg12 : memref<!tpu.dma_semaphore, #tpu.memory_space<semaphore_mem>>) src(%dma_wait3A_94 : memref<10000x64xbf16, #tpu.memory_space<hbm>>) dst(%arg7 : memref<125x64xbf16, #tpu.memory_space<vmem>>)
      %add3A_95 = arith.constant 80 : i32
      %add3A_96 = arith.addi %add3A_95, %add3A_88 : i32
      %dma_start3A_97 = arith.constant 0 : i32
      %dma_start3A_98 = tpu.memref_slice %arg5[%add3A_96, %dma_start3A_97] : memref<160x125xi32, #tpu.memory_space<vmem>> -> memref<1x125xi32, #tpu.memory_space<vmem>>
      %dma_start3A_99 = tpu.memref_squeeze %dma_start3A_98 : memref<1x125xi32, #tpu.memory_space<vmem>> -> memref<125xi32, #tpu.memory_space<vmem>>
      %dma_start3A_100 = arith.constant 0 : i32
      %dma_start3A_101 = arith.constant 0 : i32
      %dma_start3A_102 = tpu.memref_slice %arg10[%dma_start3A_100, %dma_start3A_101] : memref<10240x64xbf16, #tpu.memory_space<vmem_shared>> -> memref<10240x64xbf16, #tpu.memory_space<vmem_shared>>
      tpu.enqueue_indirect_dma source(%arg7 : memref<125x64xbf16, #tpu.memory_space<vmem>>) target(%dma_start3A_102 : memref<10240x64xbf16, #tpu.memory_space<vmem_shared>>) offsets(%dma_start3A_99 : memref<125xi32, #tpu.memory_space<vmem>>) semaphore(%arg16 : memref<!tpu.dma_semaphore, #tpu.memory_space<semaphore_mem>>) {add = true}
      %ge3A_103 = arith.constant 2 : i32
      %ge3A_104 = arith.cmpi sge, %add3A_88, %ge3A_103 : i32
      %convert_element_type3A_105 = arith.extui %ge3A_104 : i1 to i32
      %cond3A_106 = arith.constant 0 : i32
      %cond3A_107 = arith.cmpi ne, %convert_element_type3A_105, %cond3A_106 : i32
      scf.if %cond3A_107 {
        %add3A_176 = arith.constant 80 : i32
        %add3A_177 = arith.addi %add3A_176, %add3A_88 : i32
        %sub3A = arith.constant 2 : i32
        %sub3A_178 = arith.subi %add3A_177, %sub3A : i32
        %dma_wait3A_179 = arith.constant 0 : i32
        %dma_wait3A_180 = tpu.memref_slice %arg5[%sub3A_178, %dma_wait3A_179] : memref<160x125xi32, #tpu.memory_space<vmem>> -> memref<1x125xi32, #tpu.memory_space<vmem>>
        %dma_wait3A_181 = tpu.memref_squeeze %dma_wait3A_180 : memref<1x125xi32, #tpu.memory_space<vmem>> -> memref<125xi32, #tpu.memory_space<vmem>>
        %dma_wait3A_182 = arith.constant 0 : i32
        %dma_wait3A_183 = arith.constant 0 : i32
        %dma_wait3A_184 = tpu.memref_slice %arg10[%dma_wait3A_182, %dma_wait3A_183] : memref<10240x64xbf16, #tpu.memory_space<vmem_shared>> -> memref<10240x64xbf16, #tpu.memory_space<vmem_shared>>
        tpu.wait_indirect_dma semaphore(%arg18 : memref<!tpu.dma_semaphore, #tpu.memory_space<semaphore_mem>>) src(%arg9 : memref<125x64xbf16, #tpu.memory_space<vmem>>) dst(%dma_wait3A_184 : memref<10240x64xbf16, #tpu.memory_space<vmem_shared>>)
      } else {
      }
      %add3A_108 = arith.constant 2 : i32
      %add3A_109 = arith.addi %add3A_88, %add3A_108 : i32
      %lt3A_110 = arith.constant 80 : i32
      %lt3A_111 = arith.cmpi slt, %add3A_109, %lt3A_110 : i32
      %convert_element_type3A_112 = arith.extui %lt3A_111 : i1 to i32
      %cond3A_113 = arith.constant 0 : i32
      %cond3A_114 = arith.cmpi ne, %convert_element_type3A_112, %cond3A_113 : i32
      scf.if %cond3A_114 {
        %add3A_176 = arith.constant 2 : i32
        %add3A_177 = arith.addi %add3A_88, %add3A_176 : i32
        %dma_start3A_178 = arith.constant 0 : i32
        %dma_start3A_179 = tpu.memref_slice %arg5[%add3A_177, %dma_start3A_178] : memref<160x125xi32, #tpu.memory_space<vmem>> -> memref<1x125xi32, #tpu.memory_space<vmem>>
        %dma_start3A_180 = tpu.memref_squeeze %dma_start3A_179 : memref<1x125xi32, #tpu.memory_space<vmem>> -> memref<125xi32, #tpu.memory_space<vmem>>
        %dma_start3A_181 = arith.constant 0 : i32
        %dma_start3A_182 = arith.constant 0 : i32
        %dma_start3A_183 = tpu.memref_slice %arg2[%dma_start3A_181, %dma_start3A_182] : memref<10000x64xbf16, #tpu.memory_space<hbm>> -> memref<10000x64xbf16, #tpu.memory_space<hbm>>
        tpu.enqueue_indirect_dma source(%dma_start3A_183 : memref<10000x64xbf16, #tpu.memory_space<hbm>>) target(%arg9 : memref<125x64xbf16, #tpu.memory_space<vmem>>) offsets(%dma_start3A_180 : memref<125xi32, #tpu.memory_space<vmem>>) semaphore(%arg14 : memref<!tpu.dma_semaphore, #tpu.memory_space<semaphore_mem>>)
      } else {
      }
      %mul3A_115 = arith.constant 4 : i32
      %mul3A_116 = arith.muli %scan3A_57, %mul3A_115 : i32
      %add3A_117 = arith.constant 2 : i32
      %add3A_118 = arith.addi %mul3A_116, %add3A_117 : i32
      %dma_wait3A_119 = arith.constant 0 : i32
      %dma_wait3A_120 = tpu.memref_slice %arg5[%add3A_118, %dma_wait3A_119] : memref<160x125xi32, #tpu.memory_space<vmem>> -> memref<1x125xi32, #tpu.memory_space<vmem>>
      %dma_wait3A_121 = tpu.memref_squeeze %dma_wait3A_120 : memref<1x125xi32, #tpu.memory_space<vmem>> -> memref<125xi32, #tpu.memory_space<vmem>>
      %dma_wait3A_122 = arith.constant 0 : i32
      %dma_wait3A_123 = arith.constant 0 : i32
      %dma_wait3A_124 = tpu.memref_slice %arg2[%dma_wait3A_122, %dma_wait3A_123] : memref<10000x64xbf16, #tpu.memory_space<hbm>> -> memref<10000x64xbf16, #tpu.memory_space<hbm>>
      tpu.wait_indirect_dma semaphore(%arg13 : memref<!tpu.dma_semaphore, #tpu.memory_space<semaphore_mem>>) src(%dma_wait3A_124 : memref<10000x64xbf16, #tpu.memory_space<hbm>>) dst(%arg8 : memref<125x64xbf16, #tpu.memory_space<vmem>>)
      %add3A_125 = arith.constant 80 : i32
      %add3A_126 = arith.addi %add3A_125, %add3A_118 : i32
      %dma_start3A_127 = arith.constant 0 : i32
      %dma_start3A_128 = tpu.memref_slice %arg5[%add3A_126, %dma_start3A_127] : memref<160x125xi32, #tpu.memory_space<vmem>> -> memref<1x125xi32, #tpu.memory_space<vmem>>
      %dma_start3A_129 = tpu.memref_squeeze %dma_start3A_128 : memref<1x125xi32, #tpu.memory_space<vmem>> -> memref<125xi32, #tpu.memory_space<vmem>>
      %dma_start3A_130 = arith.constant 0 : i32
      %dma_start3A_131 = arith.constant 0 : i32
      %dma_start3A_132 = tpu.memref_slice %arg10[%dma_start3A_130, %dma_start3A_131] : memref<10240x64xbf16, #tpu.memory_space<vmem_shared>> -> memref<10240x64xbf16, #tpu.memory_space<vmem_shared>>
      tpu.enqueue_indirect_dma source(%arg8 : memref<125x64xbf16, #tpu.memory_space<vmem>>) target(%dma_start3A_132 : memref<10240x64xbf16, #tpu.memory_space<vmem_shared>>) offsets(%dma_start3A_129 : memref<125xi32, #tpu.memory_space<vmem>>) semaphore(%arg17 : memref<!tpu.dma_semaphore, #tpu.memory_space<semaphore_mem>>) {add = true}
      %ge3A_133 = arith.constant 2 : i32
      %ge3A_134 = arith.cmpi sge, %add3A_118, %ge3A_133 : i32
      %convert_element_type3A_135 = arith.extui %ge3A_134 : i1 to i32
      %cond3A_136 = arith.constant 0 : i32
      %cond3A_137 = arith.cmpi ne, %convert_element_type3A_135, %cond3A_136 : i32
      scf.if %cond3A_137 {
        %add3A_176 = arith.constant 80 : i32
        %add3A_177 = arith.addi %add3A_176, %add3A_118 : i32
        %sub3A = arith.constant 2 : i32
        %sub3A_178 = arith.subi %add3A_177, %sub3A : i32
        %dma_wait3A_179 = arith.constant 0 : i32
        %dma_wait3A_180 = tpu.memref_slice %arg5[%sub3A_178, %dma_wait3A_179] : memref<160x125xi32, #tpu.memory_space<vmem>> -> memref<1x125xi32, #tpu.memory_space<vmem>>
        %dma_wait3A_181 = tpu.memref_squeeze %dma_wait3A_180 : memref<1x125xi32, #tpu.memory_space<vmem>> -> memref<125xi32, #tpu.memory_space<vmem>>
        %dma_wait3A_182 = arith.constant 0 : i32
        %dma_wait3A_183 = arith.constant 0 : i32
        %dma_wait3A_184 = tpu.memref_slice %arg10[%dma_wait3A_182, %dma_wait3A_183] : memref<10240x64xbf16, #tpu.memory_space<vmem_shared>> -> memref<10240x64xbf16, #tpu.memory_space<vmem_shared>>
        tpu.wait_indirect_dma semaphore(%arg15 : memref<!tpu.dma_semaphore, #tpu.memory_space<semaphore_mem>>) src(%arg6 : memref<125x64xbf16, #tpu.memory_space<vmem>>) dst(%dma_wait3A_184 : memref<10240x64xbf16, #tpu.memory_space<vmem_shared>>)
      } else {
      }
      %add3A_138 = arith.constant 2 : i32
      %add3A_139 = arith.addi %add3A_118, %add3A_138 : i32
      %lt3A_140 = arith.constant 80 : i32
      %lt3A_141 = arith.cmpi slt, %add3A_139, %lt3A_140 : i32
      %convert_element_type3A_142 = arith.extui %lt3A_141 : i1 to i32
      %cond3A_143 = arith.constant 0 : i32
      %cond3A_144 = arith.cmpi ne, %convert_element_type3A_142, %cond3A_143 : i32
      scf.if %cond3A_144 {
        %add3A_176 = arith.constant 2 : i32
        %add3A_177 = arith.addi %add3A_118, %add3A_176 : i32
        %dma_start3A_178 = arith.constant 0 : i32
        %dma_start3A_179 = tpu.memref_slice %arg5[%add3A_177, %dma_start3A_178] : memref<160x125xi32, #tpu.memory_space<vmem>> -> memref<1x125xi32, #tpu.memory_space<vmem>>
        %dma_start3A_180 = tpu.memref_squeeze %dma_start3A_179 : memref<1x125xi32, #tpu.memory_space<vmem>> -> memref<125xi32, #tpu.memory_space<vmem>>
        %dma_start3A_181 = arith.constant 0 : i32
        %dma_start3A_182 = arith.constant 0 : i32
        %dma_start3A_183 = tpu.memref_slice %arg2[%dma_start3A_181, %dma_start3A_182] : memref<10000x64xbf16, #tpu.memory_space<hbm>> -> memref<10000x64xbf16, #tpu.memory_space<hbm>>
        tpu.enqueue_indirect_dma source(%dma_start3A_183 : memref<10000x64xbf16, #tpu.memory_space<hbm>>) target(%arg6 : memref<125x64xbf16, #tpu.memory_space<vmem>>) offsets(%dma_start3A_180 : memref<125xi32, #tpu.memory_space<vmem>>) semaphore(%arg11 : memref<!tpu.dma_semaphore, #tpu.memory_space<semaphore_mem>>)
      } else {
      }
      %mul3A_145 = arith.constant 4 : i32
      %mul3A_146 = arith.muli %scan3A_57, %mul3A_145 : i32
      %add3A_147 = arith.constant 3 : i32
      %add3A_148 = arith.addi %mul3A_146, %add3A_147 : i32
      %dma_wait3A_149 = arith.constant 0 : i32
      %dma_wait3A_150 = tpu.memref_slice %arg5[%add3A_148, %dma_wait3A_149] : memref<160x125xi32, #tpu.memory_space<vmem>> -> memref<1x125xi32, #tpu.memory_space<vmem>>
      %dma_wait3A_151 = tpu.memref_squeeze %dma_wait3A_150 : memref<1x125xi32, #tpu.memory_space<vmem>> -> memref<125xi32, #tpu.memory_space<vmem>>
      %dma_wait3A_152 = arith.constant 0 : i32
      %dma_wait3A_153 = arith.constant 0 : i32
      %dma_wait3A_154 = tpu.memref_slice %arg2[%dma_wait3A_152, %dma_wait3A_153] : memref<10000x64xbf16, #tpu.memory_space<hbm>> -> memref<10000x64xbf16, #tpu.memory_space<hbm>>
      tpu.wait_indirect_dma semaphore(%arg14 : memref<!tpu.dma_semaphore, #tpu.memory_space<semaphore_mem>>) src(%dma_wait3A_154 : memref<10000x64xbf16, #tpu.memory_space<hbm>>) dst(%arg9 : memref<125x64xbf16, #tpu.memory_space<vmem>>)
      %add3A_155 = arith.constant 80 : i32
      %add3A_156 = arith.addi %add3A_155, %add3A_148 : i32
      %dma_start3A_157 = arith.constant 0 : i32
      %dma_start3A_158 = tpu.memref_slice %arg5[%add3A_156, %dma_start3A_157] : memref<160x125xi32, #tpu.memory_space<vmem>> -> memref<1x125xi32, #tpu.memory_space<vmem>>
      %dma_start3A_159 = tpu.memref_squeeze %dma_start3A_158 : memref<1x125xi32, #tpu.memory_space<vmem>> -> memref<125xi32, #tpu.memory_space<vmem>>
      %dma_start3A_160 = arith.constant 0 : i32
      %dma_start3A_161 = arith.constant 0 : i32
      %dma_start3A_162 = tpu.memref_slice %arg10[%dma_start3A_160, %dma_start3A_161] : memref<10240x64xbf16, #tpu.memory_space<vmem_shared>> -> memref<10240x64xbf16, #tpu.memory_space<vmem_shared>>
      tpu.enqueue_indirect_dma source(%arg9 : memref<125x64xbf16, #tpu.memory_space<vmem>>) target(%dma_start3A_162 : memref<10240x64xbf16, #tpu.memory_space<vmem_shared>>) offsets(%dma_start3A_159 : memref<125xi32, #tpu.memory_space<vmem>>) semaphore(%arg18 : memref<!tpu.dma_semaphore, #tpu.memory_space<semaphore_mem>>) {add = true}
      %ge3A_163 = arith.constant 2 : i32
      %ge3A_164 = arith.cmpi sge, %add3A_148, %ge3A_163 : i32
      %convert_element_type3A_165 = arith.extui %ge3A_164 : i1 to i32
      %cond3A_166 = arith.constant 0 : i32
      %cond3A_167 = arith.cmpi ne, %convert_element_type3A_165, %cond3A_166 : i32
      scf.if %cond3A_167 {
        %add3A_176 = arith.constant 80 : i32
        %add3A_177 = arith.addi %add3A_176, %add3A_148 : i32
        %sub3A = arith.constant 2 : i32
        %sub3A_178 = arith.subi %add3A_177, %sub3A : i32
        %dma_wait3A_179 = arith.constant 0 : i32
        %dma_wait3A_180 = tpu.memref_slice %arg5[%sub3A_178, %dma_wait3A_179] : memref<160x125xi32, #tpu.memory_space<vmem>> -> memref<1x125xi32, #tpu.memory_space<vmem>>
        %dma_wait3A_181 = tpu.memref_squeeze %dma_wait3A_180 : memref<1x125xi32, #tpu.memory_space<vmem>> -> memref<125xi32, #tpu.memory_space<vmem>>
        %dma_wait3A_182 = arith.constant 0 : i32
        %dma_wait3A_183 = arith.constant 0 : i32
        %dma_wait3A_184 = tpu.memref_slice %arg10[%dma_wait3A_182, %dma_wait3A_183] : memref<10240x64xbf16, #tpu.memory_space<vmem_shared>> -> memref<10240x64xbf16, #tpu.memory_space<vmem_shared>>
        tpu.wait_indirect_dma semaphore(%arg16 : memref<!tpu.dma_semaphore, #tpu.memory_space<semaphore_mem>>) src(%arg7 : memref<125x64xbf16, #tpu.memory_space<vmem>>) dst(%dma_wait3A_184 : memref<10240x64xbf16, #tpu.memory_space<vmem_shared>>)
      } else {
      }
      %add3A_168 = arith.constant 2 : i32
      %add3A_169 = arith.addi %add3A_148, %add3A_168 : i32
      %lt3A_170 = arith.constant 80 : i32
      %lt3A_171 = arith.cmpi slt, %add3A_169, %lt3A_170 : i32
      %convert_element_type3A_172 = arith.extui %lt3A_171 : i1 to i32
      %cond3A_173 = arith.constant 0 : i32
      %cond3A_174 = arith.cmpi ne, %convert_element_type3A_172, %cond3A_173 : i32
      scf.if %cond3A_174 {
        %add3A_176 = arith.constant 2 : i32
        %add3A_177 = arith.addi %add3A_148, %add3A_176 : i32
        %dma_start3A_178 = arith.constant 0 : i32
        %dma_start3A_179 = tpu.memref_slice %arg5[%add3A_177, %dma_start3A_178] : memref<160x125xi32, #tpu.memory_space<vmem>> -> memref<1x125xi32, #tpu.memory_space<vmem>>
        %dma_start3A_180 = tpu.memref_squeeze %dma_start3A_179 : memref<1x125xi32, #tpu.memory_space<vmem>> -> memref<125xi32, #tpu.memory_space<vmem>>
        %dma_start3A_181 = arith.constant 0 : i32
        %dma_start3A_182 = arith.constant 0 : i32
        %dma_start3A_183 = tpu.memref_slice %arg2[%dma_start3A_181, %dma_start3A_182] : memref<10000x64xbf16, #tpu.memory_space<hbm>> -> memref<10000x64xbf16, #tpu.memory_space<hbm>>
        tpu.enqueue_indirect_dma source(%dma_start3A_183 : memref<10000x64xbf16, #tpu.memory_space<hbm>>) target(%arg7 : memref<125x64xbf16, #tpu.memory_space<vmem>>) offsets(%dma_start3A_180 : memref<125xi32, #tpu.memory_space<vmem>>) semaphore(%arg12 : memref<!tpu.dma_semaphore, #tpu.memory_space<semaphore_mem>>)
      } else {
      }
      %scan3A_175 = arith.constant 0 : i32
      scf.yield %scan3A_175 : i32
    }
    %scan3A_42 = arith.constant 20 : i32
    %dma_wait3A = arith.constant 158 : i32
    %dma_wait3A_43 = arith.constant 0 : i32
    %dma_wait3A_44 = tpu.memref_slice %arg5[%dma_wait3A, %dma_wait3A_43] : memref<160x125xi32, #tpu.memory_space<vmem>> -> memref<1x125xi32, #tpu.memory_space<vmem>>
    %dma_wait3A_45 = tpu.memref_squeeze %dma_wait3A_44 : memref<1x125xi32, #tpu.memory_space<vmem>> -> memref<125xi32, #tpu.memory_space<vmem>>
    %dma_wait3A_46 = arith.constant 0 : i32
    %dma_wait3A_47 = arith.constant 0 : i32
    %dma_wait3A_48 = tpu.memref_slice %arg10[%dma_wait3A_46, %dma_wait3A_47] : memref<10240x64xbf16, #tpu.memory_space<vmem_shared>> -> memref<10240x64xbf16, #tpu.memory_space<vmem_shared>>
    tpu.wait_indirect_dma semaphore(%arg17 : memref<!tpu.dma_semaphore, #tpu.memory_space<semaphore_mem>>) src(%arg8 : memref<125x64xbf16, #tpu.memory_space<vmem>>) dst(%dma_wait3A_48 : memref<10240x64xbf16, #tpu.memory_space<vmem_shared>>)
    %dma_wait3A_49 = arith.constant 159 : i32
    %dma_wait3A_50 = arith.constant 0 : i32
    %dma_wait3A_51 = tpu.memref_slice %arg5[%dma_wait3A_49, %dma_wait3A_50] : memref<160x125xi32, #tpu.memory_space<vmem>> -> memref<1x125xi32, #tpu.memory_space<vmem>>
    %dma_wait3A_52 = tpu.memref_squeeze %dma_wait3A_51 : memref<1x125xi32, #tpu.memory_space<vmem>> -> memref<125xi32, #tpu.memory_space<vmem>>
    %dma_wait3A_53 = arith.constant 0 : i32
    %dma_wait3A_54 = arith.constant 0 : i32
    %dma_wait3A_55 = tpu.memref_slice %arg10[%dma_wait3A_53, %dma_wait3A_54] : memref<10240x64xbf16, #tpu.memory_space<vmem_shared>> -> memref<10240x64xbf16, #tpu.memory_space<vmem_shared>>
    tpu.wait_indirect_dma semaphore(%arg18 : memref<!tpu.dma_semaphore, #tpu.memory_space<semaphore_mem>>) src(%arg9 : memref<125x64xbf16, #tpu.memory_space<vmem>>) dst(%dma_wait3A_55 : memref<10240x64xbf16, #tpu.memory_space<vmem_shared>>)
    %barrier3A_56 = arith.constant 0 : index
    tpu.barrier barrier_id(%barrier3A_56)
    "tpu.region"() ({
      %run_scoped3A = tpu.sem_alloc : memref<!tpu.dma_semaphore, #tpu.memory_space<semaphore_mem>>
      %dma_start3A_57 = arith.constant 0 : i32
      %dma_start3A_58 = tpu.memref_slice %arg4[%arg0, %mul3A_10, %dma_start3A_57] : memref<2x10240x64xbf16, #tpu.memory_space<hbm>> -> memref<1x640x64xbf16, #tpu.memory_space<hbm>>
      %dma_start3A_59 = tpu.memref_squeeze %dma_start3A_58 : memref<1x640x64xbf16, #tpu.memory_space<hbm>> -> memref<640x64xbf16, #tpu.memory_space<hbm>>
      %dma_start3A_60 = arith.constant 0 : i32
      %dma_start3A_61 = tpu.memref_slice %arg10[%mul3A_10, %dma_start3A_60] : memref<10240x64xbf16, #tpu.memory_space<vmem_shared>> -> memref<640x64xbf16, #tpu.memory_space<vmem_shared>>
      tpu.enqueue_dma source(%dma_start3A_61 : memref<640x64xbf16, #tpu.memory_space<vmem_shared>>) target(%dma_start3A_59 : memref<640x64xbf16, #tpu.memory_space<hbm>>) target_semaphore(%run_scoped3A : memref<!tpu.dma_semaphore, #tpu.memory_space<semaphore_mem>>)
      %dma_wait3A_62 = arith.constant 0 : i32
      %dma_wait3A_63 = tpu.memref_slice %arg4[%arg0, %mul3A_10, %dma_wait3A_62] : memref<2x10240x64xbf16, #tpu.memory_space<hbm>> -> memref<1x640x64xbf16, #tpu.memory_space<hbm>>
      %dma_wait3A_64 = tpu.memref_squeeze %dma_wait3A_63 : memref<1x640x64xbf16, #tpu.memory_space<hbm>> -> memref<640x64xbf16, #tpu.memory_space<hbm>>
      %dma_wait3A_65 = arith.constant 0 : i32
      %dma_wait3A_66 = tpu.memref_slice %arg10[%mul3A_10, %dma_wait3A_65] : memref<10240x64xbf16, #tpu.memory_space<vmem_shared>> -> memref<640x64xbf16, #tpu.memory_space<vmem_shared>>
      tpu.wait_dma2 semaphore(%run_scoped3A : memref<!tpu.dma_semaphore, #tpu.memory_space<semaphore_mem>>) src(%dma_wait3A_66 : memref<640x64xbf16, #tpu.memory_space<vmem_shared>>) dst(%dma_wait3A_64 : memref<640x64xbf16, #tpu.memory_space<hbm>>)
      tpu.yield
    }) : () -> ()
    return
  }
}

module attributes {stable_mosaic.version = 14 : i64} {
  func.func @_lin_body(%arg0: i32, %arg1: memref<2000x128xf32, #tpu.memory_space<vmem>>, %arg2: memref<128x64xf32, #tpu.memory_space<vmem>>, %arg3: memref<2x2000x16xf32, #tpu.memory_space<vmem>>, %arg4: memref<2000x64xbf16, #tpu.memory_space<vmem>>) attributes {dimension_semantics = [#tpu.dimension_semantics<arbitrary>], iteration_bounds = array<i64: 5>, scalar_prefetch = 0 : i64, scratch_operands = 0 : i64, tpu.core_type = #tpu.core_type<tc>, window_params = [{transform_indices = @transform_0, window_bounds = array<i64: 2000, 128>}, {pipeline_mode = #tpu.pipeline_mode<synchronous>, transform_indices = @transform_1, window_bounds = array<i64: 128, 64>}, {transform_indices = @transform_2, window_bounds = array<i64: 2, 2000, 16>}, {transform_indices = @transform_3, window_bounds = array<i64: 2000, 64>}]} {
    %get3A = arith.constant 0 : index
    %get3A_0 = arith.constant 0 : index
    %get3A_1 = arith.constant 0 : index
    %get3A_2 = vector.load %arg3[%get3A, %get3A_0, %get3A_1] : memref<2x2000x16xf32, #tpu.memory_space<vmem>>, vector<1x2000x1xf32>
    %get3A_3 = vector.shape_cast %get3A_2 : vector<1x2000x1xf32> to vector<2000xf32>
    %get3A_4 = arith.constant 1 : index
    %get3A_5 = arith.constant 0 : index
    %get3A_6 = arith.constant 0 : index
    %get3A_7 = vector.load %arg3[%get3A_4, %get3A_5, %get3A_6] : memref<2x2000x16xf32, #tpu.memory_space<vmem>>, vector<1x2000x1xf32>
    %get3A_8 = vector.shape_cast %get3A_7 : vector<1x2000x1xf32> to vector<2000xf32>
    %add3A = arith.addf %get3A_3, %get3A_8 : vector<2000xf32>
    %add3A_9 = arith.constant 1.000000e+00 : f32
    %add3A_10 = vector.broadcast %add3A_9 : f32 to vector<2000xf32>
    %add3A_11 = arith.addf %add3A, %add3A_10 : vector<2000xf32>
    %rsqrt3A = math.rsqrt %add3A_11 : vector<2000xf32>
    %get3A_12 = arith.constant 0 : index
    %get3A_13 = arith.constant 0 : index
    %get3A_14 = vector.load %arg1[%get3A_12, %get3A_13] : memref<2000x128xf32, #tpu.memory_space<vmem>>, vector<2000x128xf32>
    %get3A_15 = arith.constant 0 : index
    %get3A_16 = arith.constant 0 : index
    %get3A_17 = vector.load %arg2[%get3A_15, %get3A_16] : memref<128x64xf32, #tpu.memory_space<vmem>>, vector<128x64xf32>
    %dot_general3A = arith.constant dense<0.000000e+00> : vector<2000x64xf32>
    %dot_general3A_18 = tpu.matmul %get3A_14, %get3A_17, %dot_general3A {dimension_numbers = #tpu.dot_dimension_numbers<[1], [0], [0], [1], [0, 0, 1, 1], [], []>, transpose_lhs_hint = false} : vector<2000x128xf32>, vector<128x64xf32>, vector<2000x64xf32> -> vector<2000x64xf32>
    %broadcast_in_dim3A = vector.shape_cast %rsqrt3A : vector<2000xf32> to vector<2000x1xf32>
    %mul3A = vector.broadcast %broadcast_in_dim3A : vector<2000x1xf32> to vector<2000x64xf32>
    %mul3A_19 = arith.mulf %dot_general3A_18, %mul3A : vector<2000x64xf32>
    %convert_element_type3A = arith.truncf %mul3A_19 : vector<2000x64xf32> to vector<2000x64xbf16>
    %swap3A = arith.constant 0 : index
    %swap3A_20 = arith.constant 0 : index
    %swap3A_21 = vector.load %arg4[%swap3A, %swap3A_20] : memref<2000x64xbf16, #tpu.memory_space<vmem>>, vector<2000x64xbf16>
    tpu.vector_store %arg4[%swap3A, %swap3A_20], %convert_element_type3A {strides = array<i32>} : memref<2000x64xbf16, #tpu.memory_space<vmem>>, vector<2000x64xbf16>,
    return
  }
  func.func @transform_0(%arg0: i32) -> (i32, i32) {
    %c0_i32 = arith.constant 0 : i32
    %c0_i32_0 = arith.constant 0 : i32
    return %arg0, %c0_i32 : i32, i32
  }
  func.func @transform_1(%arg0: i32) -> (i32, i32) {
    %c0_i32 = arith.constant 0 : i32
    %c0_i32_0 = arith.constant 0 : i32
    %c0_i32_1 = arith.constant 0 : i32
    return %c0_i32, %c0_i32_0 : i32, i32
  }
  func.func @transform_2(%arg0: i32) -> (i32, i32, i32) {
    %c0_i32 = arith.constant 0 : i32
    %c0_i32_0 = arith.constant 0 : i32
    %c0_i32_1 = arith.constant 0 : i32
    return %c0_i32, %arg0, %c0_i32_0 : i32, i32, i32
  }
  func.func @transform_3(%arg0: i32) -> (i32, i32) {
    %c0_i32 = arith.constant 0 : i32
    %c0_i32_0 = arith.constant 0 : i32
    return %arg0, %c0_i32 : i32, i32
  }
}

module attributes {stable_mosaic.version = 14 : i64} {
  func.func @_tail_body(%arg0: i32, %arg1: memref<2x2000x64xbf16, #tpu.memory_space<vmem>>, %arg2: memref<2000x64xbf16, #tpu.memory_space<vmem>>, %arg3: memref<2x2000x16xf32, #tpu.memory_space<vmem>>, %arg4: memref<1x64xf32, #tpu.memory_space<vmem>>, %arg5: memref<2000x64xf32, #tpu.memory_space<vmem>>) attributes {dimension_semantics = [#tpu.dimension_semantics<arbitrary>], iteration_bounds = array<i64: 5>, scalar_prefetch = 0 : i64, scratch_operands = 0 : i64, tpu.core_type = #tpu.core_type<tc>, window_params = [{transform_indices = @transform_0, window_bounds = array<i64: 2, 2000, 64>}, {transform_indices = @transform_1, window_bounds = array<i64: 2000, 64>}, {transform_indices = @transform_2, window_bounds = array<i64: 2, 2000, 16>}, {pipeline_mode = #tpu.pipeline_mode<synchronous>, transform_indices = @transform_3, window_bounds = array<i64: 1, 64>}, {transform_indices = @transform_4, window_bounds = array<i64: 2000, 64>}]} {
    %get3A = arith.constant 0 : index
    %get3A_0 = arith.constant 0 : index
    %get3A_1 = arith.constant 0 : index
    %get3A_2 = vector.load %arg3[%get3A, %get3A_0, %get3A_1] : memref<2x2000x16xf32, #tpu.memory_space<vmem>>, vector<1x2000x1xf32>
    %get3A_3 = vector.shape_cast %get3A_2 : vector<1x2000x1xf32> to vector<2000xf32>
    %get3A_4 = arith.constant 1 : index
    %get3A_5 = arith.constant 0 : index
    %get3A_6 = arith.constant 0 : index
    %get3A_7 = vector.load %arg3[%get3A_4, %get3A_5, %get3A_6] : memref<2x2000x16xf32, #tpu.memory_space<vmem>>, vector<1x2000x1xf32>
    %get3A_8 = vector.shape_cast %get3A_7 : vector<1x2000x1xf32> to vector<2000xf32>
    %add3A = arith.addf %get3A_3, %get3A_8 : vector<2000xf32>
    %add3A_9 = arith.constant 1.000000e+00 : f32
    %add3A_10 = vector.broadcast %add3A_9 : f32 to vector<2000xf32>
    %add3A_11 = arith.addf %add3A, %add3A_10 : vector<2000xf32>
    %rsqrt3A = math.rsqrt %add3A_11 : vector<2000xf32>
    %get3A_12 = arith.constant 0 : index
    %get3A_13 = arith.constant 0 : index
    %get3A_14 = arith.constant 0 : index
    %get3A_15 = vector.load %arg1[%get3A_12, %get3A_13, %get3A_14] : memref<2x2000x64xbf16, #tpu.memory_space<vmem>>, vector<1x2000x64xbf16>
    %get3A_16 = vector.shape_cast %get3A_15 : vector<1x2000x64xbf16> to vector<2000x64xbf16>
    %convert_element_type3A = arith.extf %get3A_16 : vector<2000x64xbf16> to vector<2000x64xf32>
    %get3A_17 = arith.constant 1 : index
    %get3A_18 = arith.constant 0 : index
    %get3A_19 = arith.constant 0 : index
    %get3A_20 = vector.load %arg1[%get3A_17, %get3A_18, %get3A_19] : memref<2x2000x64xbf16, #tpu.memory_space<vmem>>, vector<1x2000x64xbf16>
    %get3A_21 = vector.shape_cast %get3A_20 : vector<1x2000x64xbf16> to vector<2000x64xbf16>
    %convert_element_type3A_22 = arith.extf %get3A_21 : vector<2000x64xbf16> to vector<2000x64xf32>
    %add3A_23 = arith.addf %convert_element_type3A, %convert_element_type3A_22 : vector<2000x64xf32>
    %get3A_24 = arith.constant 0 : index
    %get3A_25 = arith.constant 0 : index
    %get3A_26 = vector.load %arg2[%get3A_24, %get3A_25] : memref<2000x64xbf16, #tpu.memory_space<vmem>>, vector<2000x64xbf16>
    %convert_element_type3A_27 = arith.extf %get3A_26 : vector<2000x64xbf16> to vector<2000x64xf32>
    %add3A_28 = arith.addf %add3A_23, %convert_element_type3A_27 : vector<2000x64xf32>
    %broadcast_in_dim3A = vector.shape_cast %rsqrt3A : vector<2000xf32> to vector<2000x1xf32>
    %mul3A = vector.broadcast %broadcast_in_dim3A : vector<2000x1xf32> to vector<2000x64xf32>
    %mul3A_29 = arith.mulf %add3A_28, %mul3A : vector<2000x64xf32>
    %get3A_30 = arith.constant 0 : index
    %get3A_31 = arith.constant 0 : index
    %get3A_32 = vector.load %arg4[%get3A_30, %get3A_31] : memref<1x64xf32, #tpu.memory_space<vmem>>, vector<1x64xf32>
    %get3A_33 = vector.shape_cast %get3A_32 : vector<1x64xf32> to vector<64xf32>
    %broadcast_in_dim3A_34 = vector.shape_cast %get3A_33 : vector<64xf32> to vector<1x64xf32>
    %add3A_35 = vector.broadcast %broadcast_in_dim3A_34 : vector<1x64xf32> to vector<2000x64xf32>
    %add3A_36 = arith.addf %mul3A_29, %add3A_35 : vector<2000x64xf32>
    %max3A = arith.constant 0.000000e+00 : f32
    %max3A_37 = vector.broadcast %max3A : f32 to vector<2000x64xf32>
    %max3A_38 = arith.maximumf %add3A_36, %max3A_37 : vector<2000x64xf32>
    %reduce_max3A = arith.constant dense<0xFF800000> : vector<2000xf32>
    %reduce_max3A_39 = vector.multi_reduction <maximumf>, %max3A_38, %reduce_max3A [1] : vector<2000x64xf32> to vector<2000xf32>
    %broadcast_in_dim3A_40 = vector.shape_cast %reduce_max3A_39 : vector<2000xf32> to vector<2000x1xf32>
    %sub3A = vector.broadcast %broadcast_in_dim3A_40 : vector<2000x1xf32> to vector<2000x64xf32>
    %sub3A_41 = arith.subf %max3A_38, %sub3A : vector<2000x64xf32>
    %exp3A = math.exp %sub3A_41 : vector<2000x64xf32>
    %reduce_sum3A = arith.constant dense<0.000000e+00> : vector<2000xf32>
    %reduce_sum3A_42 = vector.multi_reduction <add>, %exp3A, %reduce_sum3A [1] : vector<2000x64xf32> to vector<2000xf32>
    %broadcast_in_dim3A_43 = vector.shape_cast %reduce_sum3A_42 : vector<2000xf32> to vector<2000x1xf32>
    %log3A = math.log %broadcast_in_dim3A_43 : vector<2000x1xf32>
    %add3A_44 = arith.addf %log3A, %broadcast_in_dim3A_40 : vector<2000x1xf32>
    %sub3A_45 = vector.broadcast %add3A_44 : vector<2000x1xf32> to vector<2000x64xf32>
    %sub3A_46 = arith.subf %max3A_38, %sub3A_45 : vector<2000x64xf32>
    %swap3A = arith.constant 0 : index
    %swap3A_47 = arith.constant 0 : index
    %swap3A_48 = vector.load %arg5[%swap3A, %swap3A_47] : memref<2000x64xf32, #tpu.memory_space<vmem>>, vector<2000x64xf32>
    tpu.vector_store %arg5[%swap3A, %swap3A_47], %sub3A_46 {strides = array<i32>} : memref<2000x64xf32, #tpu.memory_space<vmem>>, vector<2000x64xf32>,
    return
  }
  func.func @transform_0(%arg0: i32) -> (i32, i32, i32) {
    %c0_i32 = arith.constant 0 : i32
    %c0_i32_0 = arith.constant 0 : i32
    %c0_i32_1 = arith.constant 0 : i32
    return %c0_i32, %arg0, %c0_i32_0 : i32, i32, i32
  }
  func.func @transform_1(%arg0: i32) -> (i32, i32) {
    %c0_i32 = arith.constant 0 : i32
    %c0_i32_0 = arith.constant 0 : i32
    return %arg0, %c0_i32 : i32, i32
  }
  func.func @transform_2(%arg0: i32) -> (i32, i32, i32) {
    %c0_i32 = arith.constant 0 : i32
    %c0_i32_0 = arith.constant 0 : i32
    %c0_i32_1 = arith.constant 0 : i32
    return %c0_i32, %arg0, %c0_i32_0 : i32, i32, i32
  }
  func.func @transform_3(%arg0: i32) -> (i32, i32) {
    %c0_i32 = arith.constant 0 : i32
    %c0_i32_0 = arith.constant 0 : i32
    %c0_i32_1 = arith.constant 0 : i32
    return %c0_i32, %c0_i32_0 : i32, i32
  }
  func.func @transform_4(%arg0: i32) -> (i32, i32) {
    %c0_i32 = arith.constant 0 : i32
    %c0_i32_0 = arith.constant 0 : i32
    return %arg0, %c0_i32 : i32, i32
  }
}

</mosaic_0001>

<sc_bundles>
// kernel: kernel.6.cloned.1.call-start
scs
__scs_entry_jumppad:
0x0: {  	(pc) =	sbr.rel $0x88, $3  }
0x1: {  	(tag) =	ssettag $0x0;
	lr =	simm.s32 $0x1  }
0x2: {  	[smem:$0x3F9D] =	sst lr;
	_ =	strace $0xD0000000  }
0x3: {  	_ = 	snop  }
0x4: {  	_ = 	snop  }
0x5: {  	_ = 	snop  }
0x6: {  	_ = 	snop  }
0x7: {  	_ = 	snop  }
__scs_overlays_trampoline_lowered:
0x8: {  	[smem:$0x3FAC] =	sst s0  }
0x9: {  	[smem:$0x3FAD] =	sst s1  }
0xa: {  	[smem:$0x3FAE] =	sst s2  }
0xb: {  	[smem:$0x3FAF] =	sst s3  }
0xc: {  	[smem:$0x3FB0] =	sst s4  }
0xd: {  	[smem:$0x3FB1] =	sst s5  }
0xe: {  	[smem:$0x3FB2] =	sst s6  }
0xf: {  	[smem:$0x3FB3] =	sst s7  }
0x10: {  	[smem:$0x3FB4] =	sst s8  }
0x11: {  	[smem:$0x3FB5] =	sst s9;
	s0 =	simm.s32 @!p0 $0x0  }
0x12: {  	s1 =	sld [smem:$0x3F9B];
	s0 =	simm.s32 @p0 $0x1  }
0x13: {  	[smem:$0x3FB6] =	sst s0;
	s0 =	simm.s32 @!p1 $0x0  }
0x14: {  	s2 =	sld [smem:$0x3F9A];
	s0 =	simm.s32 @p1 $0x1  }
0x15: {  	[smem:$0x3FB7] =	sst s0;
	s0 =	simm.s32 @!p2 $0x0  }
0x16: {  	s3 =	sld [smem:$0x3FDB];
	s0 =	simm.s32 @p2 $0x1  }
0x17: {  	s4 =	simm.s32 $0x1BF5;
	[smem:$0x3FB9] =	sst s0  }
0x18: {  	s0 =	sld [smem:$0x3F9C];
	_ =	swait.ge [sflag:s4], $0x0  }
0x19: {  	s7 =	sld [smem:$0x3F9D]  }
0x1a: {  	s8 =	sadd.s32 $0xFFFFE003, lr  }
0x1b: {  	s9 =	sadd.s32 $0xFFFFFEF7, lr;
	s5 =	simm.s32 $0xFFFFFFFF;
	p2 =	slt.u32 s8, $0xFFFFF086  }
0x1c: {  	p1 =	slt.u32 s9, $0xF7A;
	s5 =	simm.s32 @!p2 $0x0  }
0x1d: {  	s5 =	simm.s32 @p1 $0x1;
	p0 =	seq.s32 s7, s2  }
0x1e: {  	s7 =	smul.u32 @!p0 $0xF7A, s2;
	p2 =	seq.s32 @!p0 s5, $0x0  }
0x1f: {  	s9 =	smul.u32 $0xF7A, s1;
	s8 =	simm.s32 @!p0 $0x1BF5;
	p2 =	por !p2, p0  }
0x20: {  	[sflag:s8] =	ssyncset.s32 @!p0 $0xFFFFF086;
	s6 =	sadd.s32 @!p0 s3, s7;
	s7 =	simm.s32 @!p0 $0x108  }
0x21: {  	s3 =	sadd.s32 s3, s9;
	s6 =	sadd.s32 @!p0 $0x88, s6;
	s7 =	simm.s32 @p2 $0x1082  }
0x22: {  	[simem:s7], [sflag:s8] =	dma.local @!p0 [hbm:s6], $0xF7A  }
0x23: {  	s9 =	sor.u32 $0xD0000000, s2;
	s6 =	simm.s32 $0x108;
	_ =	swait.ge @!p0 [sflag:s8], $0x0  }
0x24: {  	s3 =	sadd.s32 $0x88, s3;
	s6 =	simm.s32 @!p1 $0x1082;
	[sflag:s4] =	ssyncset.s32 $0xFFFFF086  }
0x25: {  	[simem:s6], [sflag:s4] =	dma.local [hbm:s3], $0xF7A  }
0x26: {  	[smem:$0x3F9D] =	sst s1;
	(tag) =	ssettag s2;
	_ =	strace s9  }
0x27: {  	s1 =	sld [smem:$0x3FAD]  }
0x28: {  	s2 =	sld [smem:$0x3FAE]  }
0x29: {  	s4 =	sld [smem:$0x3FB0]  }
0x2a: {  	p0 =	seq.s32 s5, $0x0;
	s5 =	sld [smem:$0x3FB1]  }
0x2b: {  	s6 =	sld [smem:$0x3FB2]  }
0x2c: {  	s7 =	sld [smem:$0x3FB3]  }
0x2d: {  	s3 =	simm.s32 $0x108;
	s8 =	sld [smem:$0x3FB4]  }
0x2e: {  	s3 =	simm.s32 @!p0 $0x1082;
	s9 =	sld [smem:$0x3FB5]  }
0x2f: {  	lr =	sadd.s32 s0, s3;
	s0 =	sld [smem:$0x3FAC]  }
0x30: {  	s3 =	sld [smem:$0x3FAF]  }
0x31: {  	[smem:$0x3FB8] =	sst s10  }
0x32: {  	s10 =	sld [smem:$0x3FB6];
	_ =	sdelay $0x3  }
0x33: {  	p0 =	seq.s32 s10, $0x1;
	s10 =	sld [smem:$0x3FB8];
	_ =	sdelay $0x3  }
0x34: {  	[smem:$0x3FB8] =	sst s10  }
0x35: {  	s10 =	sld [smem:$0x3FB7];
	_ =	sdelay $0x3  }
0x36: {  	p1 =	seq.s32 s10, $0x1;
	s10 =	sld [smem:$0x3FB8];
	_ =	sdelay $0x3  }
0x37: {  	[smem:$0x3FB8] =	sst s10  }
0x38: {  	s10 =	sld [smem:$0x3FB9]  }
0x39: {  	_ = 	snop;
	(pc) =	sbr.ind lr, $3  }
0x3a: {  	_ = 	snop  }
0x3b: {  	_ = 	snop  }
0x3c: {  	p2 =	seq.s32 s10, $0x1;
	s10 =	sld [smem:$0x3FB8]  }
0x3d: {  	_ =	shalt  }
0x3e: {  	_ =	shalt  }
0x3f: {  	_ =	shalt  }
0x40: {  	_ =	shalt  }
0x41: {  	_ =	shalt  }
0x42: {  	_ =	shalt  }
0x43: {  	_ =	shalt  }
0x44: {  	_ =	shalt  }
0x45: {  	_ =	shalt  }
0x46: {  	_ =	shalt  }
0x47: {  	_ =	shalt  }
0x48: {  	_ =	shalt  }
0x49: {  	_ =	shalt  }
0x4a: {  	_ =	shalt  }
0x4b: {  	_ =	shalt  }
0x4c: {  	_ =	shalt  }
0x4d: {  	_ =	shalt  }
0x4e: {  	_ =	shalt  }
0x4f: {  	_ =	shalt  }
0x50: {  	_ =	shalt  }
0x51: {  	_ =	shalt  }
0x52: {  	_ =	shalt  }
0x53: {  	_ =	shalt  }
0x54: {  	_ =	shalt  }
0x55: {  	_ =	shalt  }
0x56: {  	_ =	shalt  }
0x57: {  	_ =	shalt  }
0x58: {  	_ =	shalt  }
0x59: {  	_ =	shalt  }
0x5a: {  	_ =	shalt  }
0x5b: {  	_ =	shalt  }
0x5c: {  	_ =	shalt  }
0x5d: {  	_ =	shalt  }
0x5e: {  	_ =	shalt  }
0x5f: {  	_ =	shalt  }
0x60: {  	_ =	shalt  }
0x61: {  	_ =	shalt  }
0x62: {  	_ =	shalt  }
0x63: {  	_ =	shalt  }
0x64: {  	_ =	shalt  }
0x65: {  	_ =	shalt  }
0x66: {  	_ =	shalt  }
0x67: {  	_ =	shalt  }
0x68: {  	_ =	shalt  }
0x69: {  	_ =	shalt  }
0x6a: {  	_ =	shalt  }
0x6b: {  	_ =	shalt  }
0x6c: {  	_ =	shalt  }
0x6d: {  	_ =	shalt  }
0x6e: {  	_ =	shalt  }
0x6f: {  	_ =	shalt  }
0x70: {  	_ =	shalt  }
0x71: {  	_ =	shalt  }
0x72: {  	_ =	shalt  }
0x73: {  	_ =	shalt  }
0x74: {  	_ =	shalt  }
0x75: {  	_ =	shalt  }
0x76: {  	_ =	shalt  }
0x77: {  	_ =	shalt  }
0x78: {  	_ =	shalt  }
0x79: {  	_ =	shalt  }
0x7a: {  	_ =	shalt  }
0x7b: {  	_ =	shalt  }
0x7c: {  	_ =	shalt  }
0x7d: {  	_ =	shalt  }
0x7e: {  	_ =	shalt  }
0x7f: {  	_ =	shalt  }
0x80: {  	_ =	shalt  }
0x81: {  	_ =	shalt  }
0x82: {  	_ =	shalt  }
0x83: {  	_ =	shalt  }
0x84: {  	_ =	shalt  }
0x85: {  	_ =	shalt  }
0x86: {  	_ =	shalt  }
0x87: {  	_ =	shalt  }
.Lfunc_end0:
.L_simem_size_0:
called_computation_lowered:
.L_overlay_start_0:
0x88: {  	s2 =	sld [smem:$0x3FD9]  }
0x89: {  	s3 =	sld [smem:$0x3FFE];
	_ =	sdelay $0x1  }
0x8a: {  	s1 =	srdreg.scid  }
0x8b: {  	s0 =	sand.u32 $0x1, s1  }
0x8c: {  	s17 =	sshll.u32 s0, $0xA;
	s2 =	sadd.s32 s3, s2  }
0x8d: {  	s2 =	sadd.s32 s2, s17  }
0x8e: {  	[smem:$0x3FC4] =	sst s2  }
0x8f: {  	_ = 	snop  }
0x90: {  	s2 =	sld [smem:$0x3FD0];
	(tm) =	ssettm $0x1  }
0x91: {  	s18 =	sld [smem:$0x3FFB];
	_ =	sdelay $0x3  }
0x92: {  	_ =	strace s18  }
0x93: {  	s3 =	sld [smem:$0x3FFC];
	_ =	sdelay $0x3  }
0x94: {  	_ =	strace s3  }
0x95: {  	s3 =	sld [smem:$0x3FFD];
	_ =	sdelay $0x3  }
0x96: {  	_ =	strace s3  }
0x97: {  	_ =	strace $0x8FFFFFFF  }
0x98: {  	s19 =	sld [smem:$0x3FDB];
	_ =	sdelay $0x1  }
0x99: {  	s4 =	simm.s32 $_scs_section_size  }
0x9a: {  	s5 =	simm.s32 $_size__tile_overlayer_lowered;
	s6 =	simm.s32 $_tile_overlayer_lowered  }
0x9b: {  	s22 =	simm.s32 $0x1BFF;
	s21 =	sshll.u32 s6, $0x1;
	s3 =	sadd.s32 s4, s19  }
0x9c: {  	s7 =	simm.s32 $0x0;
	s20 =	sshll.u32 s5, $0x1;
	s5 =	sadd.s32 s21, s3  }
0x9d: {  	[timem:s7], [sflag:s22] =	dma.local [hbm:s5], s20  }
0x9e: {  	_ =	swait.ge [sflag:s22], s20  }
0x9f: {  	s4 =	ssub.s32 $0x0, s20;
	[sflag:s22] =	ssyncset.done $0x0  }
0xa0: {  	[sflag:s22] =	ssyncadd.s32 s4;
	_ =	sdelay $0x1  }
0xa1: {  	s23 =	simm.s32 $0x1B8B  }
0xa2: {  	_ =	swait.ge [sflag:s23], $0x1  }
0xa3: {  	[sflag:s23] =	ssyncset.done $0x0  }
0xa4: {  	s25 =	simm.s32 $0x1B8E;
	s24 =	sld [smem:$0x3FFE];
	[sflag:s23] =	ssyncadd.s32 $0xFFFFFFFF  }
0xa5: {  	s26 =	simm.s32 $execute0_lowered;
	[smem:$0x3FD2] =	sst s25  }
0xa6: {  	s5 =	sshll.u32 s26, $0x1;
	_ =	strace $0x80000046;
	[dreg:$0x1] =	wrdreg $0xFFFFFFFF  }
0xa7: {  	s28 =	simm.s32 $_size_execute0_lowered;
	s3 =	sadd.s32 s3, s5;
	[dreg:$0x0] =	wrdreg $0x0  }
0xa8: {  	s5 =	sshll.u32 s28, $0x1;
	[dreg:$0x2] =	wrdreg s3  }
0xa9: {  	[dreg:$0x3] =	wrdreg s5  }
0xaa: {  	[dreg:$0x4] =	wrdreg $0xC0  }
0xab: {  	_ =	task [dreg:s7], $0x5FFFF  }
0xac: {  	[dreg:$0x1] =	wrdreg $0xFFFFFFFF  }
0xad: {  	[dreg:$0x0] =	wrdreg $0x60  }
0xae: {  	[dreg:$0x2] =	wrdreg s24  }
0xaf: {  	[dreg:$0x3] =	wrdreg s2  }
0xb0: {  	[dreg:$0x4] =	wrdreg $0x37D00  }
0xb1: {  	[dreg:$0x5] =	wrdreg $0x9  }
0xb2: {  	_ =	task.clear_ibuf [dreg:s7], $0x6FFFF;
	_ =	strace $0x90000046  }
0xb3: {  	s29 =	simm.s32 $0x9;
	_ =	strace $0x80000048  }
0xb4: {  	_ =	swait.ge [sflag:s29], $0x1  }
0xb5: {  	[sflag:s29] =	ssyncadd.s32 $0xFFFFFFFF  }
0xb6: {  	_ =	strace $0x90000048  }
0xb7: {  	_ =	sfence  }
0xb8: {  	s30 =	sld [smem:$0x0];
	_ =	sdelay $0x2  }
0xb9: {  	s31 =	sshll.u32 s1, $0xD;
	s1 =	sshrl.u32 s1, $0x2  }
0xba: {  	s3 =	sand.u32 $0x4000, s31;
	s1 =	sadd.s32 s1, s30  }
0xbb: {  	s0 =	sor.u32 s3, s0;
	s1 =	sshll.u32 s1, $0x11  }
0xbc: {  	s0 =	sor.u32 s1, s0  }
0xbd: {  	s0 =	sadd.s32 $0x8F2B, s0  }
0xbe: {  	[sflag:s0] =	ssyncadd.remote.s32 $0x1  }
0xbf: {  	_ =	sfence.sel $0xFFFF  }
0xc0: {  	[dreg:$0x0] =	wrdreg $0xFFFFFFFF;
	(pc) =	sbr.abs _section_cstart, $3  }
0xc1: {  	[dreg:$0x1] =	wrdreg $0xFFFFFFFF  }
0xc2: {  	_ =	task.clear_ibuf [dreg:s7], $0x2FFFF;
	_ =	strace $0x9FFFFFFF  }
0xc3: {  	(tm) =	ssettm $0x7FFFFFFF  }
tec
execute0_lowered:
.L_overlay_start_1:
0x0: {  	(tag) =	ssettag $0x1  }
0x1: {  	s5 =	rddreg [dreg:$0x0]  }
0x2: {  	s0 =	srdreg.scid;
	s6 =	rddreg [dreg:$0x1]  }
0x3: {  	s2 =	rddreg [dreg:$0x2];
	s3 =	simm.s32 $0x0;
	s12 =	simm.s32 $0x2  }
0x4: {  	s13 =	simm.s32 $0x2FD0;
	s14 =	simm.s32 $0x7D;
	s15 =	simm.s32 $0x2800  }
0x5: {  	s16 =	simm.s32 $0x1;
	s4 =	sand.u32 $0x1, s0;
	s0 =	stileid.u32  }
0x6: {  	s19 =	simm.s32 $0x0;
	[smem:$0x7FF] =	sst s3;
	s8 =	smul.u32 $0x28000, s4  }
0x7: {  	s1 =	sshll.u32 s4, $0x4;
	s4 =	ssub.s32 $0x2, s4;
	s9 =	smul.u32 $0x2800, s0  }
0x8: {  	s11 =	smul.u32 $0xA000, s0;
	s17 =	sshll.u32 s0, $0x6;
	s1 =	sor.u32 s0, s1  }
0x9: {  	s10 =	sshrl.u32 s4, $0x1;
	s17 =	sor.u32 $0x1C02, s17;
	s7 =	smul.u32 $0x2800, s1  }
0xa: {  	s1 =	rddreg [dreg:$0x3];
	_ =	strace $0x80000047;
	s10 =	ssub.s32 s4, s10  }
0xb: {  	s30 =	sadd.s32 s9, s8;
	s31 =	sshrl.u32 s11, $0x2;
	s18 =	sadd.s32 s9, s2  }
0xc: {  	s18 =	sshrl.u32 s18, $0x3;
	s29 =	sshrl.u32 s7, $0x3;
	s7 =	sshrl.u32 s30, $0x3  }
0xd: {  	s4 =	sadd.s32 s5, s29;
	s5 =	sadd.s32 s31, s2;
	s6 =	sadd.s32 s6, s7  }
0xe: {  	s7 =	smax.u32 s10, $0x1;
	s4 =	sadd.s32 $0xB600, s4;
	s8 =	sadd.s32 $0x800, s5  }
0xf: {  	v0 =	vimm.f32 $1.000000000e+00;
	v1 =	vimm.f32 $0.0e+00;
	s9 =	sadd.s32 $0x1000, s5;
	s10 =	sadd.s32 $0x1800, s5;
	s11 =	sadd.s32 $0x2000, s5  }
.LBB2_1:
0x10: {  	[tilespmem:s3], [sflag:$0x2] =	stream.linear.gather [hbm4b:s4+s3], $0x2800, $0x38;
	[tilespmem:$0x5FD0] =	vst v63  }
0x11: {  	_ =	swait.ge [sflag:s12], $0x2800  }
0x12: {  	[sflag:s12] =	ssyncset.done $0x0  }
0x13: {  	s20 =	simm.s32 $0x0;
	[sflag:s12] =	ssyncadd.s32 $0xFFFFD800  }
.LBB2_2:
0x14: {  	p0 =	sne.s32 s20, $0x1F00  }
.Ltmp0:
0x15: {  	_ = 	snop;
	(pc) =	sbr.rel @p0 .LBB2_2-.Ltmp0, $3  }
0x16: {  	_ =	sdelay $0x1  }
0x17: {  	s21 =	sshra.s32 s20, $0x2  }
0x18: {  	s20 =	sadd.s32 $0x40, s20;
	[tilespmem:s21+$0x2800] =	vst v0  }
0x19: {  	s20 =	simm.s32 $0x40;
	s21 =	simm.s32 $0x0  }
.LBB2_4:
0x1a: {  	p0 =	sne.s32 s20, $0x1FC0;
	[tilespmem:s21+$0x2FD0] =	vst v1;
	s21 =	smov.u32 s20;
	s20 =	sadd.s32 $0x40, s20  }
.Ltmp1:
0x1b: {  	(pc) =	sbr.rel @p0 .LBB2_4-.Ltmp1, $2  }
0x1c: {  	_ =	sdelay $0x2  }
0x1d: {  	s21 =	sshra.s32 s21, $0x2  }
0x1e: {  	[tilespmem:s21+$0x2FD0] =	vst v1  }
0x1f: {  	[spmem:s5] =	stream.linear.scatter [tilespmem:s13], [sflag:$0x2], $0x800, $0x38;
	[tilespmem:$0x5FD0] =	vst v63  }
0x20: {  	_ =	swait.ge [sflag:s12], $0x800  }
0x21: {  	[sflag:s12] =	ssyncset.done $0x0  }
0x22: {  	[sflag:s12] =	ssyncadd.s32 $0xFFFFF800  }
0x23: {  	[spmem:s8] =	stream.linear.scatter [tilespmem:s13], [sflag:$0x2], $0x800, $0x38;
	[tilespmem:$0x5FD0] =	vst v63  }
0x24: {  	_ =	swait.ge [sflag:s12], $0x800  }
0x25: {  	[sflag:s12] =	ssyncset.done $0x0  }
0x26: {  	[sflag:s12] =	ssyncadd.s32 $0xFFFFF800  }
0x27: {  	[spmem:s9] =	stream.linear.scatter [tilespmem:s13], [sflag:$0x2], $0x800, $0x38;
	[tilespmem:$0x5FD0] =	vst v63  }
0x28: {  	_ =	swait.ge [sflag:s12], $0x800  }
0x29: {  	[sflag:s12] =	ssyncset.done $0x0  }
0x2a: {  	[sflag:s12] =	ssyncadd.s32 $0xFFFFF800  }
0x2b: {  	[spmem:s10] =	stream.linear.scatter [tilespmem:s13], [sflag:$0x2], $0x800, $0x38;
	[tilespmem:$0x5FD0] =	vst v63  }
0x2c: {  	_ =	swait.ge [sflag:s12], $0x800  }
0x2d: {  	[sflag:s12] =	ssyncset.done $0x0  }
0x2e: {  	[sflag:s12] =	ssyncadd.s32 $0xFFFFF800  }
0x2f: {  	[spmem:s11] =	stream.linear.scatter [tilespmem:s13], [sflag:$0x2], $0x800, $0x38;
	[tilespmem:$0x5FD0] =	vst v63  }
0x30: {  	_ =	swait.ge [sflag:s12], $0x800  }
0x31: {  	[sflag:s12] =	ssyncset.done $0x0  }
0x32: {  	[sflag:s12] =	ssyncadd.s32 $0xFFFFF800  }
0x33: {  	s20 =	simm.s32 $0x0;
	[bflag:$0x0] =	sbarrier.arrive $0xFFFF  }
0x34: {  	[spmem:s2] =	stream.indirect.scatter.add.f32 [tilespmem:s15], [sflag:$0x1], $0x10, s20, s14, $0xb8;
	[tilespmem:$0x5FD0] =	vst v63  }
0x35: {  	s28 =	simm.s32 $0x80  }
0x36: {  	[spmem:s2] =	stream.indirect.scatter.add.f32 [tilespmem:s15], [sflag:$0x1], $0x10, s28, s14, $0xb8;
	[tilespmem:$0x5FD0] =	vst v63  }
0x37: {  	s29 =	simm.s32 $0x100  }
0x38: {  	[spmem:s2] =	stream.indirect.scatter.add.f32 [tilespmem:s15], [sflag:$0x1], $0x10, s29, s14, $0xb8;
	[tilespmem:$0x5FD0] =	vst v63  }
0x39: {  	s30 =	simm.s32 $0x180  }
0x3a: {  	[spmem:s2] =	stream.indirect.scatter.add.f32 [tilespmem:s15], [sflag:$0x1], $0x10, s30, s14, $0xb8;
	[tilespmem:$0x5FD0] =	vst v63  }
0x3b: {  	s31 =	simm.s32 $0x200  }
0x3c: {  	[spmem:s2] =	stream.indirect.scatter.add.f32 [tilespmem:s15], [sflag:$0x1], $0x10, s31, s14, $0xb8;
	[tilespmem:$0x5FD0] =	vst v63  }
0x3d: {  	_ =	swait.ge [sflag:s16], $0x7D0  }
0x3e: {  	[sflag:s16] =	ssyncset.done $0x0  }
0x3f: {  	[sflag:s16] =	ssyncadd.s32 $0xFFFFF830  }
0x40: {  	_ =	swait.ge [sflag:s16], $0x7D0  }
0x41: {  	[sflag:s16] =	ssyncset.done $0x0  }
0x42: {  	[sflag:s16] =	ssyncadd.s32 $0xFFFFF830  }
0x43: {  	_ =	swait.ge [sflag:s16], $0x7D0  }
0x44: {  	[sflag:s16] =	ssyncset.done $0x0  }
0x45: {  	[sflag:s16] =	ssyncadd.s32 $0xFFFFF830  }
0x46: {  	_ =	swait.ge [sflag:s16], $0x7D0  }
0x47: {  	[sflag:s16] =	ssyncset.done $0x0  }
0x48: {  	[sflag:s16] =	ssyncadd.s32 $0xFFFFF830  }
0x49: {  	_ =	swait.ge [sflag:s16], $0x7D0  }
0x4a: {  	s21 =	simm.s32 $0x1400;
	s20 =	simm.s32 $0xA00;
	[sflag:s16] =	ssyncset.done $0x0  }
.LBB2_6:
0x4b: {  	s22 =	sshra.s32 s20, $0x2  }
0x4c: {  	[sflag:s16] =	ssyncadd.s32 $0xFFFFF830;
	s20 =	smov.u32 s21;
	s23 =	sadd.s32 $0xA00, s21  }
0x4d: {  	[spmem:s2] =	stream.indirect.scatter.add.f32 [tilespmem:s15], [sflag:$0x1], $0x10, s22, s14, $0xb8;
	[tilespmem:$0x5FD0] =	vst v63  }
0x4e: {  	p0 =	sne.s32 s21, $0x9600;
	s21 =	sadd.s32 $0x80, s22  }
0x4f: {  	[spmem:s2] =	stream.indirect.scatter.add.f32 [tilespmem:s15], [sflag:$0x1], $0x10, s21, s14, $0xb8;
	[tilespmem:$0x5FD0] =	vst v63  }
0x50: {  	s21 =	sadd.s32 $0x100, s22  }
0x51: {  	[spmem:s2] =	stream.indirect.scatter.add.f32 [tilespmem:s15], [sflag:$0x1], $0x10, s21, s14, $0xb8;
	[tilespmem:$0x5FD0] =	vst v63  }
0x52: {  	s21 =	sadd.s32 $0x180, s22  }
0x53: {  	[spmem:s2] =	stream.indirect.scatter.add.f32 [tilespmem:s15], [sflag:$0x1], $0x10, s21, s14, $0xb8;
	[tilespmem:$0x5FD0] =	vst v63  }
0x54: {  	s21 =	sadd.s32 $0x200, s22  }
0x55: {  	[spmem:s2] =	stream.indirect.scatter.add.f32 [tilespmem:s15], [sflag:$0x1], $0x10, s21, s14, $0xb8;
	[tilespmem:$0x5FD0] =	vst v63  }
0x56: {  	_ =	swait.ge [sflag:s16], $0x7D0  }
0x57: {  	[sflag:s16] =	ssyncset.done $0x0  }
0x58: {  	[sflag:s16] =	ssyncadd.s32 $0xFFFFF830  }
0x59: {  	_ =	swait.ge [sflag:s16], $0x7D0  }
0x5a: {  	[sflag:s16] =	ssyncset.done $0x0  }
0x5b: {  	[sflag:s16] =	ssyncadd.s32 $0xFFFFF830  }
0x5c: {  	_ =	swait.ge [sflag:s16], $0x7D0  }
0x5d: {  	[sflag:s16] =	ssyncset.done $0x0  }
0x5e: {  	[sflag:s16] =	ssyncadd.s32 $0xFFFFF830  }
.Ltmp2:
0x5f: {  	_ =	swait.ge [sflag:s16], $0x7D0;
	(pc) =	sbr.rel @p0 .LBB2_6-.Ltmp2, $4  }
0x60: {  	[sflag:s16] =	ssyncset.done $0x0  }
0x61: {  	[sflag:s16] =	ssyncadd.s32 $0xFFFFF830  }
0x62: {  	_ =	swait.ge [sflag:s16], $0x7D0  }
0x63: {  	s21 =	smov.u32 s23;
	[sflag:s16] =	ssyncset.done $0x0  }
0x64: {  	s20 =	sshra.s32 s20, $0x2;
	[sflag:s16] =	ssyncadd.s32 $0xFFFFF830  }
0x65: {  	[spmem:s2] =	stream.indirect.scatter.add.f32 [tilespmem:s15], [sflag:$0x1], $0x10, s20, s14, $0xb8;
	[tilespmem:$0x5FD0] =	vst v63  }
0x66: {  	s21 =	sadd.s32 $0x80, s20  }
0x67: {  	[spmem:s2] =	stream.indirect.scatter.add.f32 [tilespmem:s15], [sflag:$0x1], $0x10, s21, s14, $0xb8;
	[tilespmem:$0x5FD0] =	vst v63  }
0x68: {  	s30 =	sadd.s32 $0x100, s20  }
0x69: {  	[spmem:s2] =	stream.indirect.scatter.add.f32 [tilespmem:s15], [sflag:$0x1], $0x10, s30, s14, $0xb8;
	[tilespmem:$0x5FD0] =	vst v63  }
0x6a: {  	s31 =	sadd.s32 $0x180, s20  }
0x6b: {  	[spmem:s2] =	stream.indirect.scatter.add.f32 [tilespmem:s15], [sflag:$0x1], $0x10, s31, s14, $0xb8;
	[tilespmem:$0x5FD0] =	vst v63  }
0x6c: {  	s20 =	sadd.s32 $0x200, s20  }
0x6d: {  	[spmem:s2] =	stream.indirect.scatter.add.f32 [tilespmem:s15], [sflag:$0x1], $0x10, s20, s14, $0xb8;
	[tilespmem:$0x5FD0] =	vst v63  }
0x6e: {  	_ =	swait.ge [sflag:s16], $0x7D0  }
0x6f: {  	[sflag:s16] =	ssyncset.done $0x0  }
0x70: {  	[sflag:s16] =	ssyncadd.s32 $0xFFFFF830  }
0x71: {  	_ =	swait.ge [sflag:s16], $0x7D0  }
0x72: {  	[sflag:s16] =	ssyncset.done $0x0  }
0x73: {  	[sflag:s16] =	ssyncadd.s32 $0xFFFFF830  }
0x74: {  	_ =	swait.ge [sflag:s16], $0x7D0  }
0x75: {  	[sflag:s16] =	ssyncset.done $0x0  }
0x76: {  	[sflag:s16] =	ssyncadd.s32 $0xFFFFF830  }
0x77: {  	_ =	swait.ge [sflag:s16], $0x7D0  }
0x78: {  	[sflag:s16] =	ssyncset.done $0x0  }
0x79: {  	[sflag:s16] =	ssyncadd.s32 $0xFFFFF830  }
0x7a: {  	_ =	swait.ge [sflag:s16], $0x7D0  }
0x7b: {  	s19 =	sadd.s32 $0x1, s19;
	[sflag:s16] =	ssyncset.done $0x0  }
0x7c: {  	p0 =	sne.s32 s19, s7;
	[sflag:s16] =	ssyncadd.s32 $0xFFFFF830  }
.Ltmp3:
0x7d: {  	[bflag:$0x0] =	sbarrier.arrive $0xFFFF;
	(pc) =	sbr.rel @p0 .LBB2_1-.Ltmp3, $4  }
0x7e: {  	[hbm:s6], [sflag:s17] =	dma.local [spmem:s18], $0x500  }
0x7f: {  	_ =	swait.ge [sflag:s12], $0x500  }
0x80: {  	[sflag:s12] =	ssyncset.done $0x0  }
0x81: {  	[sflag:s12] =	ssyncadd.s32 $0xFFFFFB00  }
0x82: {  	_ =	sfence.sel $0x180000  }
0x83: {  	[bflag:$0x0] =	sbarrier.arrive $0xFFFF  }
0x84: {  	p0 =	sne.s32 s0, $0x0;
	_ =	strace $0x90000047  }
0x85: {  	s0 =	sadd.s32 @!p0 $0x100000, s1;
	[bflag:$0x2] =	sbarrier.arrive $0xFFFF  }
0x86: {  	[sflag:s0] =	ssyncadd.tile.s32 @!p0 $0x1;
	_ =	shalt  }
.Lfunc_end2:
_tile_overlayer_lowered:
.L_overlay_start_2:
0x87: {  	(tag) =	ssettag $0x2  }
0x88: {  	s0 =	rddreg [dreg:$0x0];
	s2 =	stileid.u32  }
0x89: {  	s1 =	rddreg [dreg:$0x1];
	p0 =	sne.s32 s2, $0x0  }
0x8a: {  	s3 =	rddreg [dreg:$0x2];
	[bflag:$0x3] =	sbarrier.arrive $0xFFFF;
	s2 =	simm.s32 @!p0 $0x1C02  }
0x8b: {  	[timem:s3], [sflag:s2] =	dma.local @!p0 [hbm:s0], s1  }
0x8c: {  	s0 =	simm.s32 @!p0 $0x2  }
0x8d: {  	_ =	swait.ge @!p0 [sflag:s0], s1  }
0x8e: {  	s1 =	ssub.s32 @!p0 $0x0, s1;
	[sflag:s0] =	ssyncset.done @!p0 $0x0  }
0x8f: {  	[sflag:s0] =	ssyncadd.s32 @!p0 s1  }
0x90: {  	[bflag:$0x3] =	sbarrier.arrive $0xFFFF  }
0x91: {  	_ =	shalt  }

// kernel: kernel.9.cloned.1.call-start
scs
__scs_entry_jumppad:
0x0: {  	(pc) =	sbr.rel $0x88, $3  }
0x1: {  	(tag) =	ssettag $0x0;
	lr =	simm.s32 $0x1  }
0x2: {  	[smem:$0x3F9D] =	sst lr;
	_ =	strace $0xD0000000  }
0x3: {  	_ = 	snop  }
0x4: {  	_ = 	snop  }
0x5: {  	_ = 	snop  }
0x6: {  	_ = 	snop  }
0x7: {  	_ = 	snop  }
__scs_overlays_trampoline_lowered:
0x8: {  	[smem:$0x3FAC] =	sst s0  }
0x9: {  	[smem:$0x3FAD] =	sst s1  }
0xa: {  	[smem:$0x3FAE] =	sst s2  }
0xb: {  	[smem:$0x3FAF] =	sst s3  }
0xc: {  	[smem:$0x3FB0] =	sst s4  }
0xd: {  	[smem:$0x3FB1] =	sst s5  }
0xe: {  	[smem:$0x3FB2] =	sst s6  }
0xf: {  	[smem:$0x3FB3] =	sst s7  }
0x10: {  	[smem:$0x3FB4] =	sst s8  }
0x11: {  	[smem:$0x3FB5] =	sst s9;
	s0 =	simm.s32 @!p0 $0x0  }
0x12: {  	s1 =	sld [smem:$0x3F9B];
	s0 =	simm.s32 @p0 $0x1  }
0x13: {  	[smem:$0x3FB6] =	sst s0;
	s0 =	simm.s32 @!p1 $0x0  }
0x14: {  	s2 =	sld [smem:$0x3F9A];
	s0 =	simm.s32 @p1 $0x1  }
0x15: {  	[smem:$0x3FB7] =	sst s0;
	s0 =	simm.s32 @!p2 $0x0  }
0x16: {  	s3 =	sld [smem:$0x3FDB];
	s0 =	simm.s32 @p2 $0x1  }
0x17: {  	s4 =	simm.s32 $0x1BF5;
	[smem:$0x3FB9] =	sst s0  }
0x18: {  	s0 =	sld [smem:$0x3F9C];
	_ =	swait.ge [sflag:s4], $0x0  }
0x19: {  	s7 =	sld [smem:$0x3F9D]  }
0x1a: {  	s8 =	sadd.s32 $0xFFFFE003, lr  }
0x1b: {  	s9 =	sadd.s32 $0xFFFFFEF7, lr;
	s5 =	simm.s32 $0xFFFFFFFF;
	p2 =	slt.u32 s8, $0xFFFFF086  }
0x1c: {  	p1 =	slt.u32 s9, $0xF7A;
	s5 =	simm.s32 @!p2 $0x0  }
0x1d: {  	s5 =	simm.s32 @p1 $0x1;
	p0 =	seq.s32 s7, s2  }
0x1e: {  	s7 =	smul.u32 @!p0 $0xF7A, s2;
	p2 =	seq.s32 @!p0 s5, $0x0  }
0x1f: {  	s9 =	smul.u32 $0xF7A, s1;
	s8 =	simm.s32 @!p0 $0x1BF5;
	p2 =	por !p2, p0  }
0x20: {  	[sflag:s8] =	ssyncset.s32 @!p0 $0xFFFFF086;
	s6 =	sadd.s32 @!p0 s3, s7;
	s7 =	simm.s32 @!p0 $0x108  }
0x21: {  	s3 =	sadd.s32 s3, s9;
	s6 =	sadd.s32 @!p0 $0x88, s6;
	s7 =	simm.s32 @p2 $0x1082  }
0x22: {  	[simem:s7], [sflag:s8] =	dma.local @!p0 [hbm:s6], $0xF7A  }
0x23: {  	s9 =	sor.u32 $0xD0000000, s2;
	s6 =	simm.s32 $0x108;
	_ =	swait.ge @!p0 [sflag:s8], $0x0  }
0x24: {  	s3 =	sadd.s32 $0x88, s3;
	s6 =	simm.s32 @!p1 $0x1082;
	[sflag:s4] =	ssyncset.s32 $0xFFFFF086  }
0x25: {  	[simem:s6], [sflag:s4] =	dma.local [hbm:s3], $0xF7A  }
0x26: {  	[smem:$0x3F9D] =	sst s1;
	(tag) =	ssettag s2;
	_ =	strace s9  }
0x27: {  	s1 =	sld [smem:$0x3FAD]  }
0x28: {  	s2 =	sld [smem:$0x3FAE]  }
0x29: {  	s4 =	sld [smem:$0x3FB0]  }
0x2a: {  	p0 =	seq.s32 s5, $0x0;
	s5 =	sld [smem:$0x3FB1]  }
0x2b: {  	s6 =	sld [smem:$0x3FB2]  }
0x2c: {  	s7 =	sld [smem:$0x3FB3]  }
0x2d: {  	s3 =	simm.s32 $0x108;
	s8 =	sld [smem:$0x3FB4]  }
0x2e: {  	s3 =	simm.s32 @!p0 $0x1082;
	s9 =	sld [smem:$0x3FB5]  }
0x2f: {  	lr =	sadd.s32 s0, s3;
	s0 =	sld [smem:$0x3FAC]  }
0x30: {  	s3 =	sld [smem:$0x3FAF]  }
0x31: {  	[smem:$0x3FB8] =	sst s10  }
0x32: {  	s10 =	sld [smem:$0x3FB6];
	_ =	sdelay $0x3  }
0x33: {  	p0 =	seq.s32 s10, $0x1;
	s10 =	sld [smem:$0x3FB8];
	_ =	sdelay $0x3  }
0x34: {  	[smem:$0x3FB8] =	sst s10  }
0x35: {  	s10 =	sld [smem:$0x3FB7];
	_ =	sdelay $0x3  }
0x36: {  	p1 =	seq.s32 s10, $0x1;
	s10 =	sld [smem:$0x3FB8];
	_ =	sdelay $0x3  }
0x37: {  	[smem:$0x3FB8] =	sst s10  }
0x38: {  	s10 =	sld [smem:$0x3FB9]  }
0x39: {  	_ = 	snop;
	(pc) =	sbr.ind lr, $3  }
0x3a: {  	_ = 	snop  }
0x3b: {  	_ = 	snop  }
0x3c: {  	p2 =	seq.s32 s10, $0x1;
	s10 =	sld [smem:$0x3FB8]  }
0x3d: {  	_ =	shalt  }
0x3e: {  	_ =	shalt  }
0x3f: {  	_ =	shalt  }
0x40: {  	_ =	shalt  }
0x41: {  	_ =	shalt  }
0x42: {  	_ =	shalt  }
0x43: {  	_ =	shalt  }
0x44: {  	_ =	shalt  }
0x45: {  	_ =	shalt  }
0x46: {  	_ =	shalt  }
0x47: {  	_ =	shalt  }
0x48: {  	_ =	shalt  }
0x49: {  	_ =	shalt  }
0x4a: {  	_ =	shalt  }
0x4b: {  	_ =	shalt  }
0x4c: {  	_ =	shalt  }
0x4d: {  	_ =	shalt  }
0x4e: {  	_ =	shalt  }
0x4f: {  	_ =	shalt  }
0x50: {  	_ =	shalt  }
0x51: {  	_ =	shalt  }
0x52: {  	_ =	shalt  }
0x53: {  	_ =	shalt  }
0x54: {  	_ =	shalt  }
0x55: {  	_ =	shalt  }
0x56: {  	_ =	shalt  }
0x57: {  	_ =	shalt  }
0x58: {  	_ =	shalt  }
0x59: {  	_ =	shalt  }
0x5a: {  	_ =	shalt  }
0x5b: {  	_ =	shalt  }
0x5c: {  	_ =	shalt  }
0x5d: {  	_ =	shalt  }
0x5e: {  	_ =	shalt  }
0x5f: {  	_ =	shalt  }
0x60: {  	_ =	shalt  }
0x61: {  	_ =	shalt  }
0x62: {  	_ =	shalt  }
0x63: {  	_ =	shalt  }
0x64: {  	_ =	shalt  }
0x65: {  	_ =	shalt  }
0x66: {  	_ =	shalt  }
0x67: {  	_ =	shalt  }
0x68: {  	_ =	shalt  }
0x69: {  	_ =	shalt  }
0x6a: {  	_ =	shalt  }
0x6b: {  	_ =	shalt  }
0x6c: {  	_ =	shalt  }
0x6d: {  	_ =	shalt  }
0x6e: {  	_ =	shalt  }
0x6f: {  	_ =	shalt  }
0x70: {  	_ =	shalt  }
0x71: {  	_ =	shalt  }
0x72: {  	_ =	shalt  }
0x73: {  	_ =	shalt  }
0x74: {  	_ =	shalt  }
0x75: {  	_ =	shalt  }
0x76: {  	_ =	shalt  }
0x77: {  	_ =	shalt  }
0x78: {  	_ =	shalt  }
0x79: {  	_ =	shalt  }
0x7a: {  	_ =	shalt  }
0x7b: {  	_ =	shalt  }
0x7c: {  	_ =	shalt  }
0x7d: {  	_ =	shalt  }
0x7e: {  	_ =	shalt  }
0x7f: {  	_ =	shalt  }
0x80: {  	_ =	shalt  }
0x81: {  	_ =	shalt  }
0x82: {  	_ =	shalt  }
0x83: {  	_ =	shalt  }
0x84: {  	_ =	shalt  }
0x85: {  	_ =	shalt  }
0x86: {  	_ =	shalt  }
0x87: {  	_ =	shalt  }
.Lfunc_end0:
.L_simem_size_0:
called_computation.1_lowered:
.L_overlay_start_0:
0x88: {  	s2 =	sld [smem:$0x3FD9]  }
0x89: {  	s3 =	sld [smem:$0x3FFE];
	_ =	sdelay $0x1  }
0x8a: {  	s1 =	srdreg.scid  }
0x8b: {  	s0 =	sand.u32 $0x1, s1  }
0x8c: {  	s17 =	sshll.u32 s0, $0xA;
	s2 =	sadd.s32 s3, s2  }
0x8d: {  	s2 =	sadd.s32 s2, s17  }
0x8e: {  	[smem:$0x3FC4] =	sst s2  }
0x8f: {  	_ = 	snop  }
0x90: {  	s2 =	sld [smem:$0x3FD0];
	(tm) =	ssettm $0x1  }
0x91: {  	s18 =	sld [smem:$0x3FFB];
	_ =	sdelay $0x3  }
0x92: {  	_ =	strace s18  }
0x93: {  	s3 =	sld [smem:$0x3FFC];
	_ =	sdelay $0x3  }
0x94: {  	_ =	strace s3  }
0x95: {  	s3 =	sld [smem:$0x3FFD];
	_ =	sdelay $0x3  }
0x96: {  	_ =	strace s3  }
0x97: {  	_ =	strace $0x8FFFFFFF  }
0x98: {  	s19 =	sld [smem:$0x3FDB];
	_ =	sdelay $0x1  }
0x99: {  	s4 =	simm.s32 $_scs_section_size  }
0x9a: {  	s5 =	simm.s32 $_size__tile_overlayer_lowered;
	s6 =	simm.s32 $_tile_overlayer_lowered  }
0x9b: {  	s22 =	simm.s32 $0x1BFF;
	s21 =	sshll.u32 s6, $0x1;
	s3 =	sadd.s32 s4, s19  }
0x9c: {  	s7 =	simm.s32 $0x0;
	s20 =	sshll.u32 s5, $0x1;
	s5 =	sadd.s32 s21, s3  }
0x9d: {  	[timem:s7], [sflag:s22] =	dma.local [hbm:s5], s20  }
0x9e: {  	_ =	swait.ge [sflag:s22], s20  }
0x9f: {  	s4 =	ssub.s32 $0x0, s20;
	[sflag:s22] =	ssyncset.done $0x0  }
0xa0: {  	[sflag:s22] =	ssyncadd.s32 s4;
	_ =	sdelay $0x1  }
0xa1: {  	s23 =	simm.s32 $0x1B8B  }
0xa2: {  	_ =	swait.ge [sflag:s23], $0x1  }
0xa3: {  	[sflag:s23] =	ssyncset.done $0x0  }
0xa4: {  	s25 =	simm.s32 $0x1B8E;
	s24 =	sld [smem:$0x3FFE];
	[sflag:s23] =	ssyncadd.s32 $0xFFFFFFFF  }
0xa5: {  	s26 =	simm.s32 $execute0_lowered;
	[smem:$0x3FD2] =	sst s25  }
0xa6: {  	s5 =	sshll.u32 s26, $0x1;
	_ =	strace $0x80000049;
	[dreg:$0x1] =	wrdreg $0xFFFFFFFF  }
0xa7: {  	s28 =	simm.s32 $_size_execute0_lowered;
	s3 =	sadd.s32 s3, s5;
	[dreg:$0x0] =	wrdreg $0x0  }
0xa8: {  	s5 =	sshll.u32 s28, $0x1;
	[dreg:$0x2] =	wrdreg s3  }
0xa9: {  	[dreg:$0x3] =	wrdreg s5  }
0xaa: {  	[dreg:$0x4] =	wrdreg $0xC0  }
0xab: {  	_ =	task [dreg:s7], $0x5FFFF  }
0xac: {  	[dreg:$0x1] =	wrdreg $0xFFFFFFFF  }
0xad: {  	[dreg:$0x0] =	wrdreg $0x60  }
0xae: {  	[dreg:$0x2] =	wrdreg s2  }
0xaf: {  	[dreg:$0x3] =	wrdreg s24  }
0xb0: {  	[dreg:$0x4] =	wrdreg $0x8E800  }
0xb1: {  	[dreg:$0x5] =	wrdreg $0x9  }
0xb2: {  	_ =	task.clear_ibuf [dreg:s7], $0x6FFFF;
	_ =	strace $0x90000049  }
0xb3: {  	s29 =	simm.s32 $0x9;
	_ =	strace $0x8000004B  }
0xb4: {  	_ =	swait.ge [sflag:s29], $0x1  }
0xb5: {  	[sflag:s29] =	ssyncadd.s32 $0xFFFFFFFF  }
0xb6: {  	_ =	strace $0x9000004B  }
0xb7: {  	_ =	sfence  }
0xb8: {  	s30 =	sld [smem:$0x0];
	_ =	sdelay $0x2  }
0xb9: {  	s31 =	sshll.u32 s1, $0xD;
	s1 =	sshrl.u32 s1, $0x2  }
0xba: {  	s3 =	sand.u32 $0x4000, s31;
	s1 =	sadd.s32 s1, s30  }
0xbb: {  	s0 =	sor.u32 s3, s0;
	s1 =	sshll.u32 s1, $0x11  }
0xbc: {  	s0 =	sor.u32 s1, s0  }
0xbd: {  	s0 =	sadd.s32 $0x8F2B, s0  }
0xbe: {  	[sflag:s0] =	ssyncadd.remote.s32 $0x1  }
0xbf: {  	_ =	sfence.sel $0xFFFF  }
0xc0: {  	[dreg:$0x0] =	wrdreg $0xFFFFFFFF;
	(pc) =	sbr.abs _section_cstart, $3  }
0xc1: {  	[dreg:$0x1] =	wrdreg $0xFFFFFFFF  }
0xc2: {  	_ =	task.clear_ibuf [dreg:s7], $0x2FFFF;
	_ =	strace $0x9FFFFFFF  }
0xc3: {  	(tm) =	ssettm $0x7FFFFFFF  }
tec
execute0_lowered:
.L_overlay_start_1:
0x0: {  	(tag) =	ssettag $0x1  }
0x1: {  	s1 =	rddreg [dreg:$0x0]  }
0x2: {  	s0 =	rddreg [dreg:$0x1]  }
0x3: {  	s3 =	rddreg [dreg:$0x2]  }
0x4: {  	s2 =	srdreg.scid;
	s9 =	stileid.u32  }
0x5: {  	s6 =	simm.s32 $0x0;
	s15 =	simm.s32 $0x9;
	s16 =	simm.s32 $0x2800  }
0x6: {  	s17 =	simm.s32 $0x5000;
	s18 =	simm.s32 $0x5FA0;
	s19 =	simm.s32 $0x6F40  }
0x7: {  	s20 =	simm.s32 $0x7EE0;
	s29 =	simm.s32 $0x3;
	s31 =	simm.s32 $0x5  }
0x8: {  	s28 =	simm.s32 $0x7;
	s30 =	simm.s32 $0x8;
	s2 =	sand.u32 $0x1, s2  }
0x9: {  	s4 =	smul.u32 $0xA000, s9;
	[smem:$0x7FF] =	sst s6;
	s10 =	sadd.s32 $0x1600, s0  }
0xa: {  	s5 =	sshll.u32 s2, $0x4;
	s21 =	smul.u32 $0xA0000, s2;
	_ =	strace $0x8000004A  }
0xb: {  	s2 =	ssub.s32 $0x2, s2;
	s5 =	sor.u32 s9, s5;
	s9 =	smul.u32 $0x14000, s9  }
0xc: {  	s23 =	sshrl.u32 s2, $0x1;
	s7 =	smul.u32 $0x500, s5;
	s6 =	sadd.s32 s4, s21  }
0xd: {  	s8 =	smul.u32 $0x2800, s5;
	s2 =	ssub.s32 s2, s23;
	s4 =	sshrl.u32 s4, $0x1  }
0xe: {  	s21 =	simm.s32 $0x7D;
	s23 =	simm.s32 $0x1;
	s22 =	sshrl.u32 s6, $0x4  }
0xf: {  	s26 =	sshrl.u32 s9, $0x2;
	s14 =	smax.u32 s2, $0x1;
	s2 =	simm.s32 $0x4  }
0x10: {  	s0 =	sadd.s32 s22, s0;
	s24 =	sadd.s32 s10, s7;
	s25 =	sshrl.u32 s8, $0x3  }
.Ltmp0:
0x11: {  	s12 =	sadd.s32 s26, s3;
	s7 =	sadd.s32 s4, s3;
	(pc) =	sbr.rel .LBB2_1-.Ltmp0, $4  }
0x12: {  	[dreg:$0x4] =	wrdreg s24;
	s6 =	sadd.s32 s10, s25;
	s8 =	sadd.s32 $0xFA0, s12  }
0x13: {  	s9 =	sadd.s32 $0x1F40, s12;
	s10 =	sadd.s32 $0x2EE0, s12;
	s11 =	sadd.s32 $0x3E80, s12  }
0x14: {  	s12 =	sadd.s32 $0x4E20, s12;
	s13 =	sadd.s32 $0x65600, s0;
	s25 =	simm.s32 $0x2  }
0x15: {  	v0 =	vimm.bf16 $0.0e+00;
	s24 =	simm.s32 $0x6;
	s0 =	simm.s32 $0x0;
	s6 =	sadd.s32 $0xA000, s6  }
.LBB2_6:
0x16: {  	_ =	swait.ge [sflag:s2], $0xFA0  }
0x17: {  	[sflag:s2] =	ssyncset.done $0x0  }
0x18: {  	[sflag:s2] =	ssyncadd.s32 $0xFFFFF060  }
0x19: {  	[spmem:s3] =	stream.indirect.scatter.add.bf16 [tilespmem:s20], [sflag:$0x8], $0x20, s4, s21, $0xb8;
	[tilespmem:$0xDE80] =	vst v63  }
0x1a: {  	_ =	swait.ge [sflag:s24], $0xFA0  }
0x1b: {  	[sflag:s24] =	ssyncset.done $0x0  }
0x1c: {  	[sflag:s24] =	ssyncadd.s32 $0xFFFFF060  }
0x1d: {  	_ =	swait.ge [sflag:s28], $0xFA0  }
0x1e: {  	[sflag:s28] =	ssyncset.done $0x0  }
0x1f: {  	[sflag:s28] =	ssyncadd.s32 $0xFFFFF060  }
0x20: {  	s26 =	stileid.u32;
	_ =	swait.ge [sflag:s30], $0xFA0  }
0x21: {  	s5 =	sshrl.u32 s7, $0x3;
	s0 =	sadd.s32 $0x1, s0;
	[sflag:s30] =	ssyncset.done $0x0  }
0x22: {  	p0 =	sne.s32 s0, s14;
	s4 =	sshll.u32 s26, $0x6;
	[sflag:s30] =	ssyncadd.s32 $0xFFFFF060  }
.Ltmp1:
0x23: {  	s4 =	sor.u32 $0x1C09, s4;
	[bflag:$0x0] =	sbarrier.arrive $0xFFFF;
	(pc) =	sbr.rel @!p0 .LBB2_7-.Ltmp1, $4  }
0x24: {  	[hbm:s13], [sflag:s4] =	dma.local [spmem:s5], $0xA00  }
0x25: {  	_ =	swait.ge [sflag:s15], $0xA00  }
0x26: {  	[sflag:s15] =	ssyncset.done $0x0  }
0x27: {  	[sflag:s15] =	ssyncadd.s32 $0xFFFFF600  }
.LBB2_1:
0x28: {  	s4 =	simm.s32 $0x0;
	s5 =	rddreg [dreg:$0x4]  }
0x29: {  	[tilespmem:s4], [sflag:$0x9] =	stream.linear.gather [hbm4b:s5+s4], $0x2800, $0x38;
	[tilespmem:$0xDE80] =	vst v63  }
0x2a: {  	_ =	swait.ge [sflag:s15], $0x2800  }
0x2b: {  	[sflag:s15] =	ssyncset.done $0x0  }
0x2c: {  	[sflag:s15] =	ssyncadd.s32 $0xFFFFD800  }
0x2d: {  	[tilespmem:s16], [sflag:$0x9] =	stream.linear.gather [hbm4b:s6+s4], $0x2800, $0x38;
	[tilespmem:$0xDE80] =	vst v63  }
0x2e: {  	_ =	swait.ge [sflag:s15], $0x2800  }
0x2f: {  	[sflag:s15] =	ssyncset.done $0x0  }
0x30: {  	s22 =	simm.s32 $0x0;
	s26 =	simm.s32 $0x80;
	[sflag:s15] =	ssyncadd.s32 $0xFFFFD800  }
.LBB2_2:
0x31: {  	p0 =	sne.s32 s26, $0x3E00;
	[tilespmem:s22+$0x7EF0] =	vst v0  }
0x32: {  	[tilespmem:s22+$0x5000] =	vst v0  }
0x33: {  	[tilespmem:s22+$0x5010] =	vst v0  }
.Ltmp2:
0x34: {  	[tilespmem:s22+$0x5FA0] =	vst v0;
	(pc) =	sbr.rel @p0 .LBB2_2-.Ltmp2, $4  }
0x35: {  	[tilespmem:s22+$0x5FB0] =	vst v0  }
0x36: {  	[tilespmem:s22+$0x6F40] =	vst v0  }
0x37: {  	[tilespmem:s22+$0x6F50] =	vst v0  }
0x38: {  	[tilespmem:s22+$0x7EE0] =	vst v0;
	s22 =	sshra.s32 s26, $0x2;
	s26 =	sadd.s32 $0x80, s26  }
0x39: {  	[tilespmem:s22+$0x7EF0] =	vst v0  }
0x3a: {  	[tilespmem:s22+$0x5000] =	vst v0  }
0x3b: {  	[tilespmem:s22+$0x5010] =	vst v0  }
0x3c: {  	[tilespmem:s22+$0x5FA0] =	vst v0  }
0x3d: {  	[tilespmem:s22+$0x5FB0] =	vst v0  }
0x3e: {  	[tilespmem:s22+$0x6F40] =	vst v0  }
0x3f: {  	[tilespmem:s22+$0x6F50] =	vst v0  }
0x40: {  	[tilespmem:s22+$0x7EE0] =	vst v0  }
0x41: {  	[spmem:s7] =	stream.linear.scatter [tilespmem:s17], [sflag:$0x9], $0xFA0, $0x38;
	[tilespmem:$0xDE80] =	vst v63  }
0x42: {  	_ =	swait.ge [sflag:s15], $0xFA0  }
0x43: {  	[sflag:s15] =	ssyncset.done $0x0  }
0x44: {  	[sflag:s15] =	ssyncadd.s32 $0xFFFFF060  }
0x45: {  	[spmem:s8] =	stream.linear.scatter [tilespmem:s18], [sflag:$0x9], $0xFA0, $0x38;
	[tilespmem:$0xDE80] =	vst v63  }
0x46: {  	_ =	swait.ge [sflag:s15], $0xFA0  }
0x47: {  	[sflag:s15] =	ssyncset.done $0x0  }
0x48: {  	[sflag:s15] =	ssyncadd.s32 $0xFFFFF060  }
0x49: {  	[spmem:s9] =	stream.linear.scatter [tilespmem:s19], [sflag:$0x9], $0xFA0, $0x38;
	[tilespmem:$0xDE80] =	vst v63  }
0x4a: {  	_ =	swait.ge [sflag:s15], $0xFA0  }
0x4b: {  	[sflag:s15] =	ssyncset.done $0x0  }
0x4c: {  	[sflag:s15] =	ssyncadd.s32 $0xFFFFF060  }
0x4d: {  	[spmem:s10] =	stream.linear.scatter [tilespmem:s20], [sflag:$0x9], $0xFA0, $0x38;
	[tilespmem:$0xDE80] =	vst v63  }
0x4e: {  	_ =	swait.ge [sflag:s15], $0xFA0  }
0x4f: {  	[sflag:s15] =	ssyncset.done $0x0  }
0x50: {  	[sflag:s15] =	ssyncadd.s32 $0xFFFFF060  }
0x51: {  	[spmem:s11] =	stream.linear.scatter [tilespmem:s17], [sflag:$0x9], $0xFA0, $0x38;
	[tilespmem:$0xDE80] =	vst v63  }
0x52: {  	_ =	swait.ge [sflag:s15], $0xFA0  }
0x53: {  	[sflag:s15] =	ssyncset.done $0x0  }
0x54: {  	[sflag:s15] =	ssyncadd.s32 $0xFFFFF060  }
0x55: {  	[spmem:s12] =	stream.linear.scatter [tilespmem:s18], [sflag:$0x9], $0x1E0, $0x38;
	[tilespmem:$0xDE80] =	vst v63  }
0x56: {  	_ =	swait.ge [sflag:s15], $0x1E0  }
0x57: {  	[sflag:s15] =	ssyncset.done $0x0  }
0x58: {  	[sflag:s15] =	ssyncadd.s32 $0xFFFFFE20  }
0x59: {  	s22 =	simm.s32 $0x0;
	[bflag:$0x0] =	sbarrier.arrive $0xFFFF  }
0x5a: {  	[tilespmem:s17], [sflag:$0x1] =	stream.indirect.gather [hbm4b:s1+s21], $0x20, s22, s21, $0xb8;
	[tilespmem:$0xDE80] =	vst v63  }
0x5b: {  	s4 =	simm.s32 $0x80  }
0x5c: {  	[tilespmem:s18], [sflag:$0x2] =	stream.indirect.gather [hbm4b:s1+s21], $0x20, s4, s21, $0xb8;
	[tilespmem:$0xDE80] =	vst v63  }
0x5d: {  	_ =	swait.ge [sflag:s23], $0xFA0  }
0x5e: {  	[sflag:s23] =	ssyncset.done $0x0  }
0x5f: {  	[sflag:s23] =	ssyncadd.s32 $0xFFFFF060  }
0x60: {  	[spmem:s3] =	stream.indirect.scatter.add.bf16 [tilespmem:s17], [sflag:$0x5], $0x20, s16, s21, $0xb8;
	[tilespmem:$0xDE80] =	vst v63  }
0x61: {  	s26 =	simm.s32 $0x100  }
0x62: {  	[tilespmem:s19], [sflag:$0x3] =	stream.indirect.gather [hbm4b:s1+s21], $0x20, s26, s21, $0xb8;
	[tilespmem:$0xDE80] =	vst v63  }
0x63: {  	_ =	swait.ge [sflag:s25], $0xFA0  }
0x64: {  	[sflag:s25] =	ssyncset.done $0x0  }
0x65: {  	s5 =	simm.s32 $0x2880;
	[sflag:s25] =	ssyncadd.s32 $0xFFFFF060  }
0x66: {  	[spmem:s3] =	stream.indirect.scatter.add.bf16 [tilespmem:s18], [sflag:$0x6], $0x20, s5, s21, $0xb8;
	[tilespmem:$0xDE80] =	vst v63  }
0x67: {  	s26 =	simm.s32 $0x180  }
0x68: {  	[tilespmem:s20], [sflag:$0x4] =	stream.indirect.gather [hbm4b:s1+s21], $0x20, s26, s21, $0xb8;
	[tilespmem:$0xDE80] =	vst v63  }
0x69: {  	_ =	swait.ge [sflag:s29], $0xFA0  }
0x6a: {  	[sflag:s29] =	ssyncset.done $0x0  }
0x6b: {  	s5 =	simm.s32 $0x2900;
	[sflag:s29] =	ssyncadd.s32 $0xFFFFF060  }
0x6c: {  	[spmem:s3] =	stream.indirect.scatter.add.bf16 [tilespmem:s19], [sflag:$0x7], $0x20, s5, s21, $0xb8;
	[tilespmem:$0xDE80] =	vst v63  }
0x6d: {  	_ =	swait.ge [sflag:s31], $0xFA0  }
0x6e: {  	[sflag:s31] =	ssyncset.done $0x0  }
0x6f: {  	s26 =	simm.s32 $0x200;
	[sflag:s31] =	ssyncadd.s32 $0xFFFFF060  }
0x70: {  	[tilespmem:s17], [sflag:$0x1] =	stream.indirect.gather [hbm4b:s1+s21], $0x20, s26, s21, $0xb8;
	[tilespmem:$0xDE80] =	vst v63  }
0x71: {  	_ =	swait.ge [sflag:s2], $0xFA0  }
0x72: {  	[sflag:s2] =	ssyncset.done $0x0  }
0x73: {  	s5 =	simm.s32 $0x2980;
	[sflag:s2] =	ssyncadd.s32 $0xFFFFF060  }
0x74: {  	[spmem:s3] =	stream.indirect.scatter.add.bf16 [tilespmem:s20], [sflag:$0x8], $0x20, s5, s21, $0xb8;
	[tilespmem:$0xDE80] =	vst v63  }
0x75: {  	_ =	swait.ge [sflag:s24], $0xFA0  }
0x76: {  	[sflag:s24] =	ssyncset.done $0x0  }
0x77: {  	s26 =	simm.s32 $0x280;
	[sflag:s24] =	ssyncadd.s32 $0xFFFFF060  }
0x78: {  	[tilespmem:s18], [sflag:$0x2] =	stream.indirect.gather [hbm4b:s1+s21], $0x20, s26, s21, $0xb8;
	[tilespmem:$0xDE80] =	vst v63  }
.LBB2_4:
0x79: {  	_ =	swait.ge [sflag:s23], $0xFA0  }
0x7a: {  	s26 =	sshra.s32 s22, $0x2;
	[sflag:s23] =	ssyncset.done $0x0  }
0x7b: {  	s4 =	sadd.s32 $0x2A00, s26;
	[sflag:s23] =	ssyncadd.s32 $0xFFFFF060  }
0x7c: {  	[spmem:s3] =	stream.indirect.scatter.add.bf16 [tilespmem:s17], [sflag:$0x5], $0x20, s4, s21, $0xb8;
	[tilespmem:$0xDE80] =	vst v63  }
0x7d: {  	_ =	swait.ge [sflag:s28], $0xFA0  }
0x7e: {  	[sflag:s28] =	ssyncset.done $0x0  }
0x7f: {  	s5 =	sadd.s32 $0x300, s26;
	[sflag:s28] =	ssyncadd.s32 $0xFFFFF060  }
0x80: {  	[tilespmem:s19], [sflag:$0x3] =	stream.indirect.gather [hbm4b:s1+s21], $0x20, s5, s21, $0xb8;
	[tilespmem:$0xDE80] =	vst v63  }
0x81: {  	_ =	swait.ge [sflag:s25], $0xFA0  }
0x82: {  	[sflag:s25] =	ssyncset.done $0x0  }
0x83: {  	s5 =	sadd.s32 $0x2A80, s26;
	[sflag:s25] =	ssyncadd.s32 $0xFFFFF060  }
0x84: {  	[spmem:s3] =	stream.indirect.scatter.add.bf16 [tilespmem:s18], [sflag:$0x6], $0x20, s5, s21, $0xb8;
	[tilespmem:$0xDE80] =	vst v63  }
0x85: {  	_ =	swait.ge [sflag:s30], $0xFA0  }
0x86: {  	[sflag:s30] =	ssyncset.done $0x0  }
0x87: {  	s5 =	sadd.s32 $0x380, s26;
	[sflag:s30] =	ssyncadd.s32 $0xFFFFF060  }
0x88: {  	[tilespmem:s20], [sflag:$0x4] =	stream.indirect.gather [hbm4b:s1+s21], $0x20, s5, s21, $0xb8;
	[tilespmem:$0xDE80] =	vst v63  }
0x89: {  	_ =	swait.ge [sflag:s29], $0xFA0  }
0x8a: {  	p0 =	seq.s32 s22, $0x9000;
	[sflag:s29] =	ssyncset.done $0x0  }
.Ltmp3:
0x8b: {  	s5 =	sadd.s32 $0x2B00, s26;
	[sflag:s29] =	ssyncadd.s32 $0xFFFFF060;
	(pc) =	sbr.rel @p0 .LBB2_6-.Ltmp3, $4  }
0x8c: {  	[spmem:s3] =	stream.indirect.scatter.add.bf16 [tilespmem:s19], [sflag:$0x7], $0x20, s5, s21, $0xb8;
	[tilespmem:$0xDE80] =	vst v63  }
0x8d: {  	_ =	swait.ge [sflag:s31], $0xFA0  }
0x8e: {  	[sflag:s31] =	ssyncset.done $0x0  }
0x8f: {  	s4 =	sadd.s32 $0x2B80, s26;
	[sflag:s31] =	ssyncadd.s32 $0xFFFFF060  }
0x90: {  	s5 =	sadd.s32 $0x400, s26  }
0x91: {  	[tilespmem:s17], [sflag:$0x1] =	stream.indirect.gather [hbm4b:s1+s21], $0x20, s5, s21, $0xb8;
	[tilespmem:$0xDE80] =	vst v63  }
0x92: {  	_ =	swait.ge [sflag:s2], $0xFA0  }
0x93: {  	[sflag:s2] =	ssyncset.done $0x0  }
0x94: {  	[sflag:s2] =	ssyncadd.s32 $0xFFFFF060  }
0x95: {  	[spmem:s3] =	stream.indirect.scatter.add.bf16 [tilespmem:s20], [sflag:$0x8], $0x20, s4, s21, $0xb8;
	[tilespmem:$0xDE80] =	vst v63  }
.Ltmp4:
0x96: {  	_ = 	snop;
	(pc) =	sbr.rel .LBB2_4-.Ltmp4, $4  }
0x97: {  	_ =	swait.ge [sflag:s24], $0xFA0  }
0x98: {  	[sflag:s24] =	ssyncset.done $0x0  }
0x99: {  	s26 =	sadd.s32 $0x480, s26;
	s22 =	sadd.s32 $0x800, s22;
	[sflag:s24] =	ssyncadd.s32 $0xFFFFF060  }
0x9a: {  	[tilespmem:s18], [sflag:$0x2] =	stream.indirect.gather [hbm4b:s1+s21], $0x20, s26, s21, $0xb8;
	[tilespmem:$0xDE80] =	vst v63  }
.LBB2_7:
0x9b: {  	_ =	sfence.sel $0x180000  }
0x9c: {  	[bflag:$0x0] =	sbarrier.arrive $0xFFFF  }
0x9d: {  	_ =	strace $0x9000004A  }
0x9e: {  	s0 =	stileid.u32;
	[bflag:$0x2] =	sbarrier.arrive $0xFFFF  }
0x9f: {  	p0 =	sne.s32 s0, $0x0;
	s0 =	rddreg [dreg:$0x3]  }
0xa0: {  	s0 =	sadd.s32 @!p0 $0x100000, s0  }
0xa1: {  	[sflag:s0] =	ssyncadd.tile.s32 @!p0 $0x1;
	_ =	shalt  }
.Lfunc_end2:
_tile_overlayer_lowered:
.L_overlay_start_2:
0xa2: {  	(tag) =	ssettag $0x2  }
0xa3: {  	s0 =	rddreg [dreg:$0x0];
	s2 =	stileid.u32  }
0xa4: {  	s1 =	rddreg [dreg:$0x1];
	p0 =	sne.s32 s2, $0x0  }
0xa5: {  	s3 =	rddreg [dreg:$0x2];
	[bflag:$0x3] =	sbarrier.arrive $0xFFFF;
	s2 =	simm.s32 @!p0 $0x1C09  }
0xa6: {  	[timem:s3], [sflag:s2] =	dma.local @!p0 [hbm:s0], s1  }
0xa7: {  	s0 =	simm.s32 @!p0 $0x9  }
0xa8: {  	_ =	swait.ge @!p0 [sflag:s0], s1  }
0xa9: {  	s1 =	ssub.s32 @!p0 $0x0, s1;
	[sflag:s0] =	ssyncset.done @!p0 $0x0  }
0xaa: {  	[sflag:s0] =	ssyncadd.s32 @!p0 s1  }
0xab: {  	[bflag:$0x3] =	sbarrier.arrive $0xFFFF  }
0xac: {  	_ =	shalt  }

</sc_bundles>
